<compile_context>
chip_gen: v7x
topology: tpu7x:2x2x1
jax: 0.10.2.dev20260603
libtpu: 0.0.44.dev20260713+nightly
codegen_flags: <defaults>
</compile_context>

<pallas_src>
import functools

import jax
import jax.numpy as jnp
from jax import lax
from jax.experimental import pallas as pl
from jax.experimental.pallas import tpu as pltpu
from jax.experimental.pallas import tpu_sc as plsc

NC, NS, L = 2, 16, 16
NW = NC * NS
ROWS, COLS = 128, 32768
SC_TROWS = 4
SC_ROWS = SC_TROWS * 8
RPB = 8
NH = NW // SC_TROWS
HW = COLS // NH
NCHUNK = 2
CW = HW // NCHUNK
FPC = CW // L
BIG = 2**31 - 1


def _permute(v, idx):
    dnums = lax.GatherDimensionNumbers(
        offset_dims=(), collapsed_slice_dims=(0,), start_index_map=(0,)
    )
    return lax.gather(
        v, idx[:, None], dnums, (1,),
        mode=lax.GatherScatterMode.PROMISE_IN_BOUNDS,
    )


_mesh = plsc.VectorSubcoreMesh(
    core_axis_name="c", subcore_axis_name="s", num_cores=NC, num_subcores=NS
)


@functools.partial(
    pl.kernel,
    out_type=(
        jax.ShapeDtypeStruct((SC_ROWS,), jnp.int32),
        jax.ShapeDtypeStruct((NW, L), jnp.float32),
        jax.ShapeDtypeStruct((NW, L), jnp.int32),
    ),
    mesh=_mesh,
    scratch_types=[
        pltpu.VMEM((2, RPB, CW), jnp.float32),
        pltpu.VMEM((L,), jnp.float32),
        pltpu.VMEM((L,), jnp.int32),
        pltpu.VMEM((L,), jnp.float32),
        pltpu.VMEM((L,), jnp.int32),
        pltpu.SemaphoreType.DMA,
        pltpu.SemaphoreType.DMA,
    ],
)
def _argmin_sc(x_hbm, out_hbm, hm, he, buf, mv, ev, pmv, pev, sem0, sem1):
    scid = lax.axis_index("c")
    sid = lax.axis_index("s")
    a = scid * (SC_TROWS // NC) + sid // NH
    h = sid % NH
    r0 = a * RPB
    c0 = h * HW
    lane = lax.iota(jnp.int32, 16)

    def chunk_src(c):
        return x_hbm.at[pl.ds(r0, RPB), pl.ds(c0 + c * CW, CW)]

    pltpu.async_copy(chunk_src(0), buf.at[0], sem0)
    pltpu.async_copy(chunk_src(1), buf.at[1], sem1)

    inf = jnp.full((L,), jnp.inf, jnp.float32)
    zero = jnp.zeros((L,), jnp.int32)

    def cbody(c, carry):
        ms, gs = list(carry[0]), list(carry[1])
        p = c % 2

        @pl.when(p == 0)
        def _():
            pltpu.make_async_copy(chunk_src(0), buf.at[0], sem0).wait()

        @pl.when(p == 1)
        def _():
            pltpu.make_async_copy(chunk_src(1), buf.at[1], sem1).wait()

        def fbody(f, carry2):
            ms2, gs2 = list(carry2[0]), list(carry2[1])
            vi = c * FPC + f
            for s in range(RPB):
                v = buf[p, s, pl.ds(f * L, L)]
                pred = v < ms2[s]
                ms2[s] = jnp.where(pred, v, ms2[s])
                gs2[s] = jnp.where(pred, jnp.full((L,), vi, jnp.int32),
                                   gs2[s])
            return tuple(ms2), tuple(gs2)

        return lax.fori_loop(0, FPC, fbody, (tuple(ms), tuple(gs)))

    ms, gs = lax.fori_loop(0, NCHUNK, cbody, ((inf,) * RPB, (zero,) * RPB))

    mres = jnp.full((L,), jnp.inf, jnp.float32)
    eres = jnp.full((L,), BIG, jnp.int32)
    for s in range(RPB):
        m = ms[s]
        e = (gs[s] * L + lane) + c0
        for sh in (8, 4, 2, 1):
            perm = lane ^ sh
            mp = _permute(m, perm)
            ep = _permute(e, perm)
            pred = (mp < m) | ((mp == m) & (ep < e))
            m = jnp.where(pred, mp, m)
            e = jnp.where(pred, ep, e)
        mres = jnp.where(lane == s, m, mres)
        eres = jnp.where(lane == s, e, eres)

    gwid = a * NH + h
    mv[...] = mres
    ev[...] = eres
    pltpu.sync_copy(mv, hm.at[gwid])
    pltpu.sync_copy(ev, he.at[gwid])
    plsc.subcore_barrier()

    @pl.when(h == 0)
    def _():
        best_m = mres
        best_e = eres
        for k in range(1, NH):
            pltpu.sync_copy(hm.at[gwid + k], pmv)
            pltpu.sync_copy(he.at[gwid + k], pev)
            mp = pmv[...]
            ep = pev[...]
            pred = (mp < best_m) | ((mp == best_m) & (ep < best_e))
            best_m = jnp.where(pred, mp, best_m)
            best_e = jnp.where(pred, ep, best_e)
        ev[...] = best_e
        pltpu.sync_copy(ev.at[pl.ds(0, RPB)], out_hbm.at[pl.ds(r0, RPB)])


def _tc_body(x_ref, o_ref):
    xb = x_ref[...]
    m = jnp.min(xb, axis=1, keepdims=True)
    col = lax.broadcasted_iota(jnp.int32, xb.shape, 1)
    big = jnp.full(xb.shape, BIG, jnp.int32)
    o_ref[...] = jnp.min(jnp.where(xb == m, col, big), axis=1)[None, None, :]


_tc_argmin = pl.pallas_call(
    _tc_body,
    grid=((ROWS - SC_ROWS) // RPB,),
    in_specs=[pl.BlockSpec((RPB, COLS), lambda i: (i + SC_TROWS, 0))],
    out_specs=pl.BlockSpec((1, 1, RPB), lambda i: (i, 0, 0)),
    out_shape=jax.ShapeDtypeStruct(
        ((ROWS - SC_ROWS) // RPB, 1, RPB), jnp.int32
    ),
)


def kernel(x):
    sc_out, _, _ = _argmin_sc(x)
    tc_out = _tc_argmin(x)
    return jnp.concatenate([sc_out, tc_out.reshape(-1)])

# --- scband reference (transcript-rebuilt; emitter-appended) ---
"""Pipeline reference for scband-selection-layer-35562329211302 (READ-ONLY COPY).

The authoritative reference and input builder live on the scoring server;
editing this copy changes nothing except your own understanding.
"""

import jax, jax.numpy as jnp
import numpy as np

def setup_inputs(seed: int = 0) -> dict:
    key = jax.random.key(seed)
    x = jax.random.normal(key, (128, 32768), dtype=jnp.float32)
    return {"x": x}

def reference(x) -> jnp.ndarray:
    # SelectionLayer.forward: return index of the minimum value in each row
    assert x.ndim == 2 and x.shape[1] == 32768
    return jnp.argmin(x, axis=1)

if __name__ == "__main__":
    import jax
    _d = setup_inputs()
    print(jax.jit(kernel)(*tuple(_d.values())))

</pallas_src>

<mosaic_0001>
#map = affine_map<(d0, d1) -> (0, 0)>
#map1 = affine_map<(d0, d1) -> (0)>
module attributes {stable_mosaic.version = 14 : i64} {
  func.func @_argmin_sc(%arg0: i32, %arg1: i32, %arg2: memref<128x32768xf32, #tpu.memory_space<hbm>>, %arg3: memref<32xi32, #tpu.memory_space<hbm>>, %arg4: memref<32x16xf32, #tpu.memory_space<hbm>>, %arg5: memref<32x16xi32, #tpu.memory_space<hbm>>, %arg6: memref<2x8x2048xf32, #tpu.memory_space<vmem>>, %arg7: memref<16xf32, #tpu.memory_space<vmem>>, %arg8: memref<16xi32, #tpu.memory_space<vmem>>, %arg9: memref<16xf32, #tpu.memory_space<vmem>>, %arg10: memref<16xi32, #tpu.memory_space<vmem>>, %arg11: memref<!tpu.dma_semaphore, #tpu.memory_space<semaphore_mem>>, %arg12: memref<!tpu.dma_semaphore, #tpu.memory_space<semaphore_mem>>) attributes {dimension_semantics = [#tpu.dimension_semantics<core_parallel>, #tpu.dimension_semantics<subcore_parallel>], iteration_bounds = array<i64: 2, 16>, scalar_prefetch = 0 : i64, scratch_operands = 7 : i64, tpu.core_type = #tpu.core_type<sc_vector_subcore>, window_params = [{transform_indices = #map}, {transform_indices = #map1}, {transform_indices = #map}, {transform_indices = #map}]} {
    %mul3A = arith.constant 2 : i32
    %mul3A_0 = arith.muli %arg0, %mul3A : i32
    %jit3A = arith.constant 8 : i32
    %div3A = arith.divsi %arg1, %jit3A : i32
    %sign3A = arith.constant 0 : i32
    %sign3A_1 = arith.cmpi sgt, %arg1, %sign3A : i32
    %sign3A_2 = arith.extui %sign3A_1 : i1 to i32
    %sign3A_3 = arith.constant 0 : i32
    %sign3A_4 = arith.cmpi slt, %arg1, %sign3A_3 : i32
    %sign3A_5 = arith.extui %sign3A_4 : i1 to i32
    %sign3A_6 = arith.subi %sign3A_2, %sign3A_5 : i32
    %sign3A_7 = arith.constant 0 : i32
    %sign3A_8 = arith.cmpi sgt, %jit3A, %sign3A_7 : i32
    %sign3A_9 = arith.extui %sign3A_8 : i1 to i32
    %sign3A_10 = arith.constant 0 : i32
    %sign3A_11 = arith.cmpi slt, %jit3A, %sign3A_10 : i32
    %sign3A_12 = arith.extui %sign3A_11 : i1 to i32
    %sign3A_13 = arith.subi %sign3A_9, %sign3A_12 : i32
    %ne3A = arith.cmpi ne, %sign3A_6, %sign3A_13 : i32
    %rem3A = arith.remsi %arg1, %jit3A : i32
    %ne3A_14 = arith.constant 0 : i32
    %ne3A_15 = arith.cmpi ne, %rem3A, %ne3A_14 : i32
    %and3A = arith.andi %ne3A, %ne3A_15 : i1
    %sub3A = arith.constant 1 : i32
    %sub3A_16 = arith.subi %div3A, %sub3A : i32
    %select_n3A = arith.select %and3A, %sub3A_16, %div3A : i32
    %add3A = arith.addi %mul3A_0, %select_n3A : i32
    %jit3A_17 = arith.constant 8 : i32
    %eq3A = arith.constant 0 : i32
    %eq3A_18 = arith.cmpi eq, %jit3A_17, %eq3A : i32
    %jit3A_19 = arith.constant 1 : i32
    %select_n3A_20 = arith.select %eq3A_18, %jit3A_19, %jit3A_17 : i32
    %rem3A_21 = arith.remsi %arg1, %select_n3A_20 : i32
    %ne3A_22 = arith.constant 0 : i32
    %ne3A_23 = arith.cmpi ne, %rem3A_21, %ne3A_22 : i32
    %lt3A = arith.constant 0 : i32
    %lt3A_24 = arith.cmpi slt, %rem3A_21, %lt3A : i32
    %lt3A_25 = arith.constant 0 : i32
    %lt3A_26 = arith.cmpi slt, %select_n3A_20, %lt3A_25 : i32
    %ne3A_27 = arith.xori %lt3A_24, %lt3A_26 : i1
    %and3A_28 = arith.andi %ne3A_27, %ne3A_23 : i1
    %add3A_29 = arith.addi %rem3A_21, %select_n3A_20 : i32
    %select_n3A_30 = arith.select %and3A_28, %add3A_29, %rem3A_21 : i32
    %mul3A_31 = arith.constant 8 : i32
    %mul3A_32 = arith.muli %add3A, %mul3A_31 : i32
    %mul3A_33 = arith.constant 4096 : i32
    %mul3A_34 = arith.muli %select_n3A_30, %mul3A_33 : i32
    %iota3A = tpu.iota {dimensions = array<i32: 0>} : vector<16xi32>
    %add3A_35 = arith.constant 0 : i32
    %add3A_36 = arith.addi %mul3A_34, %add3A_35 : i32
    %dma_start3A = arith.constant 0 : i32
    %dma_start3A_37 = arith.constant 0 : i32
    %dma_start3A_38 = arith.constant 0 : i32
    %dma_start3A_39 = tpu.memref_slice %arg6[%dma_start3A, %dma_start3A_37, %dma_start3A_38] : memref<2x8x2048xf32, #tpu.memory_space<vmem>> -> memref<1x8x2048xf32, #tpu.memory_space<vmem>>
    %dma_start3A_40 = tpu.memref_squeeze %dma_start3A_39 : memref<1x8x2048xf32, #tpu.memory_space<vmem>> -> memref<8x2048xf32, #tpu.memory_space<vmem>>
    %dma_start3A_41 = tpu.memref_slice %arg2[%mul3A_32, %add3A_36] : memref<128x32768xf32, #tpu.memory_space<hbm>> -> memref<8x2048xf32, #tpu.memory_space<hbm>>
    %dma_start3A_42 = arith.constant 0 : i32
    %dma_start3A_43 = arith.constant 0 : i32
    %dma_start3A_44 = tpu.memref_slice %arg6[%dma_start3A, %dma_start3A_42, %dma_start3A_43] : memref<2x8x2048xf32, #tpu.memory_space<vmem>> -> memref<1x8x2048xf32, #tpu.memory_space<vmem>>
    %dma_start3A_45 = tpu.memref_squeeze %dma_start3A_44 : memref<1x8x2048xf32, #tpu.memory_space<vmem>> -> memref<8x2048xf32, #tpu.memory_space<vmem>>
    %dma_start3A_46 = tpu.memref_slice %arg2[%mul3A_32, %add3A_36] : memref<128x32768xf32, #tpu.memory_space<hbm>> -> memref<8x2048xf32, #tpu.memory_space<hbm>>
    tpu.enqueue_dma source(%dma_start3A_46 : memref<8x2048xf32, #tpu.memory_space<hbm>>) target(%dma_start3A_45 : memref<8x2048xf32, #tpu.memory_space<vmem>>) target_semaphore(%arg11 : memref<!tpu.dma_semaphore, #tpu.memory_space<semaphore_mem>>)
    %add3A_47 = arith.constant 2048 : i32
    %add3A_48 = arith.addi %mul3A_34, %add3A_47 : i32
    %dma_start3A_49 = arith.constant 1 : i32
    %dma_start3A_50 = arith.constant 0 : i32
    %dma_start3A_51 = arith.constant 0 : i32
    %dma_start3A_52 = tpu.memref_slice %arg6[%dma_start3A_49, %dma_start3A_50, %dma_start3A_51] : memref<2x8x2048xf32, #tpu.memory_space<vmem>> -> memref<1x8x2048xf32, #tpu.memory_space<vmem>>
    %dma_start3A_53 = tpu.memref_squeeze %dma_start3A_52 : memref<1x8x2048xf32, #tpu.memory_space<vmem>> -> memref<8x2048xf32, #tpu.memory_space<vmem>>
    %dma_start3A_54 = tpu.memref_slice %arg2[%mul3A_32, %add3A_48] : memref<128x32768xf32, #tpu.memory_space<hbm>> -> memref<8x2048xf32, #tpu.memory_space<hbm>>
    %dma_start3A_55 = arith.constant 0 : i32
    %dma_start3A_56 = arith.constant 0 : i32
    %dma_start3A_57 = tpu.memref_slice %arg6[%dma_start3A_49, %dma_start3A_55, %dma_start3A_56] : memref<2x8x2048xf32, #tpu.memory_space<vmem>> -> memref<1x8x2048xf32, #tpu.memory_space<vmem>>
    %dma_start3A_58 = tpu.memref_squeeze %dma_start3A_57 : memref<1x8x2048xf32, #tpu.memory_space<vmem>> -> memref<8x2048xf32, #tpu.memory_space<vmem>>
    %dma_start3A_59 = tpu.memref_slice %arg2[%mul3A_32, %add3A_48] : memref<128x32768xf32, #tpu.memory_space<hbm>> -> memref<8x2048xf32, #tpu.memory_space<hbm>>
    tpu.enqueue_dma source(%dma_start3A_59 : memref<8x2048xf32, #tpu.memory_space<hbm>>) target(%dma_start3A_58 : memref<8x2048xf32, #tpu.memory_space<vmem>>) target_semaphore(%arg12 : memref<!tpu.dma_semaphore, #tpu.memory_space<semaphore_mem>>)
    %broadcast_in_dim3A = arith.constant 0x7F800000 : f32
    %broadcast_in_dim3A_60 = vector.broadcast %broadcast_in_dim3A : f32 to vector<16xf32>
    %broadcast_in_dim3A_61 = arith.constant 0 : i32
    %broadcast_in_dim3A_62 = vector.broadcast %broadcast_in_dim3A_61 : i32 to vector<16xi32>
    %scan3A = arith.constant 0 : i32
    %scan3A_63 = arith.constant 2 : i32
    %scan3A_64 = arith.addi %scan3A, %scan3A_63 : i32
    %scan3A_65 = arith.constant 1 : i32
    %scan3A_66:16 = scf.for %scan3A_706 = %scan3A to %scan3A_64 step %scan3A_65 iter_args(%scan3A_707 = %broadcast_in_dim3A_60, %scan3A_708 = %broadcast_in_dim3A_60, %scan3A_709 = %broadcast_in_dim3A_60, %scan3A_710 = %broadcast_in_dim3A_60, %scan3A_711 = %broadcast_in_dim3A_60, %scan3A_712 = %broadcast_in_dim3A_60, %scan3A_713 = %broadcast_in_dim3A_60, %scan3A_714 = %broadcast_in_dim3A_60, %scan3A_715 = %broadcast_in_dim3A_62, %scan3A_716 = %broadcast_in_dim3A_62, %scan3A_717 = %broadcast_in_dim3A_62, %scan3A_718 = %broadcast_in_dim3A_62, %scan3A_719 = %broadcast_in_dim3A_62, %scan3A_720 = %broadcast_in_dim3A_62, %scan3A_721 = %broadcast_in_dim3A_62, %scan3A_722 = %broadcast_in_dim3A_62) -> (vector<16xf32>, vector<16xf32>, vector<16xf32>, vector<16xf32>, vector<16xf32>, vector<16xf32>, vector<16xf32>, vector<16xf32>, vector<16xi32>, vector<16xi32>, vector<16xi32>, vector<16xi32>, vector<16xi32>, vector<16xi32>, vector<16xi32>, vector<16xi32>)  : i32 {
      %jit3A_723 = arith.constant 2 : i32
      %eq3A_724 = arith.constant 0 : i32
      %eq3A_725 = arith.cmpi eq, %jit3A_723, %eq3A_724 : i32
      %jit3A_726 = arith.constant 1 : i32
      %select_n3A_727 = arith.select %eq3A_725, %jit3A_726, %jit3A_723 : i32
      %rem3A_728 = arith.remsi %scan3A_706, %select_n3A_727 : i32
      %ne3A_729 = arith.constant 0 : i32
      %ne3A_730 = arith.cmpi ne, %rem3A_728, %ne3A_729 : i32
      %lt3A_731 = arith.constant 0 : i32
      %lt3A_732 = arith.cmpi slt, %rem3A_728, %lt3A_731 : i32
      %lt3A_733 = arith.constant 0 : i32
      %lt3A_734 = arith.cmpi slt, %select_n3A_727, %lt3A_733 : i32
      %ne3A_735 = arith.xori %lt3A_732, %lt3A_734 : i1
      %and3A_736 = arith.andi %ne3A_735, %ne3A_730 : i1
      %add3A_737 = arith.addi %rem3A_728, %select_n3A_727 : i32
      %select_n3A_738 = arith.select %and3A_736, %add3A_737, %rem3A_728 : i32
      %eq3A_739 = arith.constant 0 : i32
      %eq3A_740 = arith.cmpi eq, %select_n3A_738, %eq3A_739 : i32
      %convert_element_type3A_741 = arith.extui %eq3A_740 : i1 to i32
      %cond3A_742 = arith.constant 0 : i32
      %cond3A_743 = arith.cmpi ne, %convert_element_type3A_741, %cond3A_742 : i32
      scf.if %cond3A_743 {
        %add3A_755 = arith.constant 0 : i32
        %add3A_756 = arith.addi %mul3A_34, %add3A_755 : i32
        %dma_wait3A = arith.constant 0 : i32
        %dma_wait3A_757 = arith.constant 0 : i32
        %dma_wait3A_758 = arith.constant 0 : i32
        %dma_wait3A_759 = tpu.memref_slice %arg6[%dma_wait3A, %dma_wait3A_757, %dma_wait3A_758] : memref<2x8x2048xf32, #tpu.memory_space<vmem>> -> memref<1x8x2048xf32, #tpu.memory_space<vmem>>
        %dma_wait3A_760 = tpu.memref_squeeze %dma_wait3A_759 : memref<1x8x2048xf32, #tpu.memory_space<vmem>> -> memref<8x2048xf32, #tpu.memory_space<vmem>>
        %dma_wait3A_761 = tpu.memref_slice %arg2[%mul3A_32, %add3A_756] : memref<128x32768xf32, #tpu.memory_space<hbm>> -> memref<8x2048xf32, #tpu.memory_space<hbm>>
        %dma_wait3A_762 = arith.constant 0 : i32
        %dma_wait3A_763 = arith.constant 0 : i32
        %dma_wait3A_764 = tpu.memref_slice %arg6[%dma_wait3A, %dma_wait3A_762, %dma_wait3A_763] : memref<2x8x2048xf32, #tpu.memory_space<vmem>> -> memref<1x8x2048xf32, #tpu.memory_space<vmem>>
        %dma_wait3A_765 = tpu.memref_squeeze %dma_wait3A_764 : memref<1x8x2048xf32, #tpu.memory_space<vmem>> -> memref<8x2048xf32, #tpu.memory_space<vmem>>
        %dma_wait3A_766 = tpu.memref_slice %arg2[%mul3A_32, %add3A_756] : memref<128x32768xf32, #tpu.memory_space<hbm>> -> memref<8x2048xf32, #tpu.memory_space<hbm>>
        tpu.wait_dma2 semaphore(%arg11 : memref<!tpu.dma_semaphore, #tpu.memory_space<semaphore_mem>>) src(%dma_wait3A_766 : memref<8x2048xf32, #tpu.memory_space<hbm>>) dst(%dma_wait3A_765 : memref<8x2048xf32, #tpu.memory_space<vmem>>)
      } else {
      }
      %eq3A_744 = arith.constant 1 : i32
      %eq3A_745 = arith.cmpi eq, %select_n3A_738, %eq3A_744 : i32
      %convert_element_type3A_746 = arith.extui %eq3A_745 : i1 to i32
      %cond3A_747 = arith.constant 0 : i32
      %cond3A_748 = arith.cmpi ne, %convert_element_type3A_746, %cond3A_747 : i32
      scf.if %cond3A_748 {
        %add3A_755 = arith.constant 2048 : i32
        %add3A_756 = arith.addi %mul3A_34, %add3A_755 : i32
        %dma_wait3A = arith.constant 1 : i32
        %dma_wait3A_757 = arith.constant 0 : i32
        %dma_wait3A_758 = arith.constant 0 : i32
        %dma_wait3A_759 = tpu.memref_slice %arg6[%dma_wait3A, %dma_wait3A_757, %dma_wait3A_758] : memref<2x8x2048xf32, #tpu.memory_space<vmem>> -> memref<1x8x2048xf32, #tpu.memory_space<vmem>>
        %dma_wait3A_760 = tpu.memref_squeeze %dma_wait3A_759 : memref<1x8x2048xf32, #tpu.memory_space<vmem>> -> memref<8x2048xf32, #tpu.memory_space<vmem>>
        %dma_wait3A_761 = tpu.memref_slice %arg2[%mul3A_32, %add3A_756] : memref<128x32768xf32, #tpu.memory_space<hbm>> -> memref<8x2048xf32, #tpu.memory_space<hbm>>
        %dma_wait3A_762 = arith.constant 0 : i32
        %dma_wait3A_763 = arith.constant 0 : i32
        %dma_wait3A_764 = tpu.memref_slice %arg6[%dma_wait3A, %dma_wait3A_762, %dma_wait3A_763] : memref<2x8x2048xf32, #tpu.memory_space<vmem>> -> memref<1x8x2048xf32, #tpu.memory_space<vmem>>
        %dma_wait3A_765 = tpu.memref_squeeze %dma_wait3A_764 : memref<1x8x2048xf32, #tpu.memory_space<vmem>> -> memref<8x2048xf32, #tpu.memory_space<vmem>>
        %dma_wait3A_766 = tpu.memref_slice %arg2[%mul3A_32, %add3A_756] : memref<128x32768xf32, #tpu.memory_space<hbm>> -> memref<8x2048xf32, #tpu.memory_space<hbm>>
        tpu.wait_dma2 semaphore(%arg12 : memref<!tpu.dma_semaphore, #tpu.memory_space<semaphore_mem>>) src(%dma_wait3A_766 : memref<8x2048xf32, #tpu.memory_space<hbm>>) dst(%dma_wait3A_765 : memref<8x2048xf32, #tpu.memory_space<vmem>>)
      } else {
      }
      %scan3A_749 = arith.constant 0 : i32
      %scan3A_750 = arith.constant 128 : i32
      %scan3A_751 = arith.addi %scan3A_749, %scan3A_750 : i32
      %scan3A_752 = arith.constant 1 : i32
      %scan3A_753:16 = scf.for %scan3A_755 = %scan3A_749 to %scan3A_751 step %scan3A_752 iter_args(%scan3A_756 = %scan3A_707, %scan3A_757 = %scan3A_708, %scan3A_758 = %scan3A_709, %scan3A_759 = %scan3A_710, %scan3A_760 = %scan3A_711, %scan3A_761 = %scan3A_712, %scan3A_762 = %scan3A_713, %scan3A_763 = %scan3A_714, %scan3A_764 = %scan3A_715, %scan3A_765 = %scan3A_716, %scan3A_766 = %scan3A_717, %scan3A_767 = %scan3A_718, %scan3A_768 = %scan3A_719, %scan3A_769 = %scan3A_720, %scan3A_770 = %scan3A_721, %scan3A_771 = %scan3A_722) -> (vector<16xf32>, vector<16xf32>, vector<16xf32>, vector<16xf32>, vector<16xf32>, vector<16xf32>, vector<16xf32>, vector<16xf32>, vector<16xi32>, vector<16xi32>, vector<16xi32>, vector<16xi32>, vector<16xi32>, vector<16xi32>, vector<16xi32>, vector<16xi32>)  : i32 {
        %mul3A_772 = arith.constant 128 : i32
        %mul3A_773 = arith.muli %scan3A_706, %mul3A_772 : i32
        %add3A_774 = arith.addi %mul3A_773, %scan3A_755 : i32
        %mul3A_775 = arith.constant 16 : i32
        %mul3A_776 = arith.muli %scan3A_755, %mul3A_775 : i32
        %get3A = arith.constant 0 : i32
        %get3A_777 = arith.index_cast %select_n3A_738 : i32 to index
        %get3A_778 = arith.index_cast %get3A : i32 to index
        %get3A_779 = arith.index_cast %mul3A_776 : i32 to index
        %get3A_780 = tpu.vector_load %arg6[%get3A_777, %get3A_778, %get3A_779] {strides = array<i32>} : memref<2x8x2048xf32, #tpu.memory_space<vmem>>, vector<1x1x16xf32>,
        %get3A_781 = vector.shape_cast %get3A_780 : vector<1x1x16xf32> to vector<16xf32>
        %lt3A_782 = arith.cmpf olt, %get3A_781, %scan3A_756 : vector<16xf32>
        %select_n3A_783 = arith.select %lt3A_782, %get3A_781, %scan3A_756 : vector<16xi1>, vector<16xf32>
        %broadcast_in_dim3A_784 = vector.broadcast %add3A_774 : i32 to vector<16xi32>
        %select_n3A_785 = arith.select %lt3A_782, %broadcast_in_dim3A_784, %scan3A_764 : vector<16xi1>, vector<16xi32>
        %mul3A_786 = arith.constant 16 : i32
        %mul3A_787 = arith.muli %scan3A_755, %mul3A_786 : i32
        %get3A_788 = arith.constant 1 : i32
        %get3A_789 = arith.index_cast %select_n3A_738 : i32 to index
        %get3A_790 = arith.index_cast %get3A_788 : i32 to index
        %get3A_791 = arith.index_cast %mul3A_787 : i32 to index
        %get3A_792 = tpu.vector_load %arg6[%get3A_789, %get3A_790, %get3A_791] {strides = array<i32>} : memref<2x8x2048xf32, #tpu.memory_space<vmem>>, vector<1x1x16xf32>,
        %get3A_793 = vector.shape_cast %get3A_792 : vector<1x1x16xf32> to vector<16xf32>
        %lt3A_794 = arith.cmpf olt, %get3A_793, %scan3A_757 : vector<16xf32>
        %select_n3A_795 = arith.select %lt3A_794, %get3A_793, %scan3A_757 : vector<16xi1>, vector<16xf32>
        %broadcast_in_dim3A_796 = vector.broadcast %add3A_774 : i32 to vector<16xi32>
        %select_n3A_797 = arith.select %lt3A_794, %broadcast_in_dim3A_796, %scan3A_765 : vector<16xi1>, vector<16xi32>
        %mul3A_798 = arith.constant 16 : i32
        %mul3A_799 = arith.muli %scan3A_755, %mul3A_798 : i32
        %get3A_800 = arith.constant 2 : i32
        %get3A_801 = arith.index_cast %select_n3A_738 : i32 to index
        %get3A_802 = arith.index_cast %get3A_800 : i32 to index
        %get3A_803 = arith.index_cast %mul3A_799 : i32 to index
        %get3A_804 = tpu.vector_load %arg6[%get3A_801, %get3A_802, %get3A_803] {strides = array<i32>} : memref<2x8x2048xf32, #tpu.memory_space<vmem>>, vector<1x1x16xf32>,
        %get3A_805 = vector.shape_cast %get3A_804 : vector<1x1x16xf32> to vector<16xf32>
        %lt3A_806 = arith.cmpf olt, %get3A_805, %scan3A_758 : vector<16xf32>
        %select_n3A_807 = arith.select %lt3A_806, %get3A_805, %scan3A_758 : vector<16xi1>, vector<16xf32>
        %broadcast_in_dim3A_808 = vector.broadcast %add3A_774 : i32 to vector<16xi32>
        %select_n3A_809 = arith.select %lt3A_806, %broadcast_in_dim3A_808, %scan3A_766 : vector<16xi1>, vector<16xi32>
        %mul3A_810 = arith.constant 16 : i32
        %mul3A_811 = arith.muli %scan3A_755, %mul3A_810 : i32
        %get3A_812 = arith.constant 3 : i32
        %get3A_813 = arith.index_cast %select_n3A_738 : i32 to index
        %get3A_814 = arith.index_cast %get3A_812 : i32 to index
        %get3A_815 = arith.index_cast %mul3A_811 : i32 to index
        %get3A_816 = tpu.vector_load %arg6[%get3A_813, %get3A_814, %get3A_815] {strides = array<i32>} : memref<2x8x2048xf32, #tpu.memory_space<vmem>>, vector<1x1x16xf32>,
        %get3A_817 = vector.shape_cast %get3A_816 : vector<1x1x16xf32> to vector<16xf32>
        %lt3A_818 = arith.cmpf olt, %get3A_817, %scan3A_759 : vector<16xf32>
        %select_n3A_819 = arith.select %lt3A_818, %get3A_817, %scan3A_759 : vector<16xi1>, vector<16xf32>
        %broadcast_in_dim3A_820 = vector.broadcast %add3A_774 : i32 to vector<16xi32>
        %select_n3A_821 = arith.select %lt3A_818, %broadcast_in_dim3A_820, %scan3A_767 : vector<16xi1>, vector<16xi32>
        %mul3A_822 = arith.constant 16 : i32
        %mul3A_823 = arith.muli %scan3A_755, %mul3A_822 : i32
        %get3A_824 = arith.constant 4 : i32
        %get3A_825 = arith.index_cast %select_n3A_738 : i32 to index
        %get3A_826 = arith.index_cast %get3A_824 : i32 to index
        %get3A_827 = arith.index_cast %mul3A_823 : i32 to index
        %get3A_828 = tpu.vector_load %arg6[%get3A_825, %get3A_826, %get3A_827] {strides = array<i32>} : memref<2x8x2048xf32, #tpu.memory_space<vmem>>, vector<1x1x16xf32>,
        %get3A_829 = vector.shape_cast %get3A_828 : vector<1x1x16xf32> to vector<16xf32>
        %lt3A_830 = arith.cmpf olt, %get3A_829, %scan3A_760 : vector<16xf32>
        %select_n3A_831 = arith.select %lt3A_830, %get3A_829, %scan3A_760 : vector<16xi1>, vector<16xf32>
        %broadcast_in_dim3A_832 = vector.broadcast %add3A_774 : i32 to vector<16xi32>
        %select_n3A_833 = arith.select %lt3A_830, %broadcast_in_dim3A_832, %scan3A_768 : vector<16xi1>, vector<16xi32>
        %mul3A_834 = arith.constant 16 : i32
        %mul3A_835 = arith.muli %scan3A_755, %mul3A_834 : i32
        %get3A_836 = arith.constant 5 : i32
        %get3A_837 = arith.index_cast %select_n3A_738 : i32 to index
        %get3A_838 = arith.index_cast %get3A_836 : i32 to index
        %get3A_839 = arith.index_cast %mul3A_835 : i32 to index
        %get3A_840 = tpu.vector_load %arg6[%get3A_837, %get3A_838, %get3A_839] {strides = array<i32>} : memref<2x8x2048xf32, #tpu.memory_space<vmem>>, vector<1x1x16xf32>,
        %get3A_841 = vector.shape_cast %get3A_840 : vector<1x1x16xf32> to vector<16xf32>
        %lt3A_842 = arith.cmpf olt, %get3A_841, %scan3A_761 : vector<16xf32>
        %select_n3A_843 = arith.select %lt3A_842, %get3A_841, %scan3A_761 : vector<16xi1>, vector<16xf32>
        %broadcast_in_dim3A_844 = vector.broadcast %add3A_774 : i32 to vector<16xi32>
        %select_n3A_845 = arith.select %lt3A_842, %broadcast_in_dim3A_844, %scan3A_769 : vector<16xi1>, vector<16xi32>
        %mul3A_846 = arith.constant 16 : i32
        %mul3A_847 = arith.muli %scan3A_755, %mul3A_846 : i32
        %get3A_848 = arith.constant 6 : i32
        %get3A_849 = arith.index_cast %select_n3A_738 : i32 to index
        %get3A_850 = arith.index_cast %get3A_848 : i32 to index
        %get3A_851 = arith.index_cast %mul3A_847 : i32 to index
        %get3A_852 = tpu.vector_load %arg6[%get3A_849, %get3A_850, %get3A_851] {strides = array<i32>} : memref<2x8x2048xf32, #tpu.memory_space<vmem>>, vector<1x1x16xf32>,
        %get3A_853 = vector.shape_cast %get3A_852 : vector<1x1x16xf32> to vector<16xf32>
        %lt3A_854 = arith.cmpf olt, %get3A_853, %scan3A_762 : vector<16xf32>
        %select_n3A_855 = arith.select %lt3A_854, %get3A_853, %scan3A_762 : vector<16xi1>, vector<16xf32>
        %broadcast_in_dim3A_856 = vector.broadcast %add3A_774 : i32 to vector<16xi32>
        %select_n3A_857 = arith.select %lt3A_854, %broadcast_in_dim3A_856, %scan3A_770 : vector<16xi1>, vector<16xi32>
        %mul3A_858 = arith.constant 16 : i32
        %mul3A_859 = arith.muli %scan3A_755, %mul3A_858 : i32
        %get3A_860 = arith.constant 7 : i32
        %get3A_861 = arith.index_cast %select_n3A_738 : i32 to index
        %get3A_862 = arith.index_cast %get3A_860 : i32 to index
        %get3A_863 = arith.index_cast %mul3A_859 : i32 to index
        %get3A_864 = tpu.vector_load %arg6[%get3A_861, %get3A_862, %get3A_863] {strides = array<i32>} : memref<2x8x2048xf32, #tpu.memory_space<vmem>>, vector<1x1x16xf32>,
        %get3A_865 = vector.shape_cast %get3A_864 : vector<1x1x16xf32> to vector<16xf32>
        %lt3A_866 = arith.cmpf olt, %get3A_865, %scan3A_763 : vector<16xf32>
        %select_n3A_867 = arith.select %lt3A_866, %get3A_865, %scan3A_763 : vector<16xi1>, vector<16xf32>
        %broadcast_in_dim3A_868 = vector.broadcast %add3A_774 : i32 to vector<16xi32>
        %select_n3A_869 = arith.select %lt3A_866, %broadcast_in_dim3A_868, %scan3A_771 : vector<16xi1>, vector<16xi32>
        scf.yield %select_n3A_783, %select_n3A_795, %select_n3A_807, %select_n3A_819, %select_n3A_831, %select_n3A_843, %select_n3A_855, %select_n3A_867, %select_n3A_785, %select_n3A_797, %select_n3A_809, %select_n3A_821, %select_n3A_833, %select_n3A_845, %select_n3A_857, %select_n3A_869 : vector<16xf32>, vector<16xf32>, vector<16xf32>, vector<16xf32>, vector<16xf32>, vector<16xf32>, vector<16xf32>, vector<16xf32>, vector<16xi32>, vector<16xi32>, vector<16xi32>, vector<16xi32>, vector<16xi32>, vector<16xi32>, vector<16xi32>, vector<16xi32>
      }
      %scan3A_754 = arith.constant 128 : i32
      scf.yield %scan3A_753#0, %scan3A_753#1, %scan3A_753#2, %scan3A_753#3, %scan3A_753#4, %scan3A_753#5, %scan3A_753#6, %scan3A_753#7, %scan3A_753#8, %scan3A_753#9, %scan3A_753#10, %scan3A_753#11, %scan3A_753#12, %scan3A_753#13, %scan3A_753#14, %scan3A_753#15 : vector<16xf32>, vector<16xf32>, vector<16xf32>, vector<16xf32>, vector<16xf32>, vector<16xf32>, vector<16xf32>, vector<16xf32>, vector<16xi32>, vector<16xi32>, vector<16xi32>, vector<16xi32>, vector<16xi32>, vector<16xi32>, vector<16xi32>, vector<16xi32>
    }
    %scan3A_67 = arith.constant 2 : i32
    %broadcast_in_dim3A_68 = arith.constant 0x7F800000 : f32
    %broadcast_in_dim3A_69 = vector.broadcast %broadcast_in_dim3A_68 : f32 to vector<16xf32>
    %broadcast_in_dim3A_70 = arith.constant 2147483647 : i32
    %broadcast_in_dim3A_71 = vector.broadcast %broadcast_in_dim3A_70 : i32 to vector<16xi32>
    %mul3A_72 = arith.constant 16 : i32
    %mul3A_73 = vector.broadcast %mul3A_72 : i32 to vector<16xi32>
    %mul3A_74 = arith.muli %scan3A_66#8, %mul3A_73 : vector<16xi32>
    %add3A_75 = arith.addi %mul3A_74, %iota3A : vector<16xi32>
    %add3A_76 = vector.broadcast %mul3A_34 : i32 to vector<16xi32>
    %add3A_77 = arith.addi %add3A_75, %add3A_76 : vector<16xi32>
    %xor3A = arith.constant 8 : i32
    %xor3A_78 = vector.broadcast %xor3A : i32 to vector<16xi32>
    %xor3A_79 = arith.xori %iota3A, %xor3A_78 : vector<16xi32>
    %broadcast_in_dim3A_80 = vector.shape_cast %xor3A_79 : vector<16xi32> to vector<16x1xi32>
    %gather3A = vector.shape_cast %broadcast_in_dim3A_80 : vector<16x1xi32> to vector<16xi32>
    %gather3A_81 = tpu.dynamic_gather %scan3A_66#0[%gather3A] in [0] : vector<16xf32>, vector<16xi32> -> vector<16xf32>
    %broadcast_in_dim3A_82 = vector.shape_cast %xor3A_79 : vector<16xi32> to vector<16x1xi32>
    %gather3A_83 = vector.shape_cast %broadcast_in_dim3A_82 : vector<16x1xi32> to vector<16xi32>
    %gather3A_84 = tpu.dynamic_gather %add3A_77[%gather3A_83] in [0] : vector<16xi32>, vector<16xi32> -> vector<16xi32>
    %lt3A_85 = arith.cmpf olt, %gather3A_81, %scan3A_66#0 : vector<16xf32>
    %eq3A_86 = arith.cmpf oeq, %gather3A_81, %scan3A_66#0 : vector<16xf32>
    %lt3A_87 = arith.cmpi slt, %gather3A_84, %add3A_77 : vector<16xi32>
    %and3A_88 = arith.andi %eq3A_86, %lt3A_87 : vector<16xi1>
    %or3A = arith.ori %lt3A_85, %and3A_88 : vector<16xi1>
    %select_n3A_89 = arith.select %or3A, %gather3A_81, %scan3A_66#0 : vector<16xi1>, vector<16xf32>
    %select_n3A_90 = arith.select %or3A, %gather3A_84, %add3A_77 : vector<16xi1>, vector<16xi32>
    %xor3A_91 = arith.constant 4 : i32
    %xor3A_92 = vector.broadcast %xor3A_91 : i32 to vector<16xi32>
    %xor3A_93 = arith.xori %iota3A, %xor3A_92 : vector<16xi32>
    %broadcast_in_dim3A_94 = vector.shape_cast %xor3A_93 : vector<16xi32> to vector<16x1xi32>
    %gather3A_95 = vector.shape_cast %broadcast_in_dim3A_94 : vector<16x1xi32> to vector<16xi32>
    %gather3A_96 = tpu.dynamic_gather %select_n3A_89[%gather3A_95] in [0] : vector<16xf32>, vector<16xi32> -> vector<16xf32>
    %broadcast_in_dim3A_97 = vector.shape_cast %xor3A_93 : vector<16xi32> to vector<16x1xi32>
    %gather3A_98 = vector.shape_cast %broadcast_in_dim3A_97 : vector<16x1xi32> to vector<16xi32>
    %gather3A_99 = tpu.dynamic_gather %select_n3A_90[%gather3A_98] in [0] : vector<16xi32>, vector<16xi32> -> vector<16xi32>
    %lt3A_100 = arith.cmpf olt, %gather3A_96, %select_n3A_89 : vector<16xf32>
    %eq3A_101 = arith.cmpf oeq, %gather3A_96, %select_n3A_89 : vector<16xf32>
    %lt3A_102 = arith.cmpi slt, %gather3A_99, %select_n3A_90 : vector<16xi32>
    %and3A_103 = arith.andi %eq3A_101, %lt3A_102 : vector<16xi1>
    %or3A_104 = arith.ori %lt3A_100, %and3A_103 : vector<16xi1>
    %select_n3A_105 = arith.select %or3A_104, %gather3A_96, %select_n3A_89 : vector<16xi1>, vector<16xf32>
    %select_n3A_106 = arith.select %or3A_104, %gather3A_99, %select_n3A_90 : vector<16xi1>, vector<16xi32>
    %xor3A_107 = arith.constant 2 : i32
    %xor3A_108 = vector.broadcast %xor3A_107 : i32 to vector<16xi32>
    %xor3A_109 = arith.xori %iota3A, %xor3A_108 : vector<16xi32>
    %broadcast_in_dim3A_110 = vector.shape_cast %xor3A_109 : vector<16xi32> to vector<16x1xi32>
    %gather3A_111 = vector.shape_cast %broadcast_in_dim3A_110 : vector<16x1xi32> to vector<16xi32>
    %gather3A_112 = tpu.dynamic_gather %select_n3A_105[%gather3A_111] in [0] : vector<16xf32>, vector<16xi32> -> vector<16xf32>
    %broadcast_in_dim3A_113 = vector.shape_cast %xor3A_109 : vector<16xi32> to vector<16x1xi32>
    %gather3A_114 = vector.shape_cast %broadcast_in_dim3A_113 : vector<16x1xi32> to vector<16xi32>
    %gather3A_115 = tpu.dynamic_gather %select_n3A_106[%gather3A_114] in [0] : vector<16xi32>, vector<16xi32> -> vector<16xi32>
    %lt3A_116 = arith.cmpf olt, %gather3A_112, %select_n3A_105 : vector<16xf32>
    %eq3A_117 = arith.cmpf oeq, %gather3A_112, %select_n3A_105 : vector<16xf32>
    %lt3A_118 = arith.cmpi slt, %gather3A_115, %select_n3A_106 : vector<16xi32>
    %and3A_119 = arith.andi %eq3A_117, %lt3A_118 : vector<16xi1>
    %or3A_120 = arith.ori %lt3A_116, %and3A_119 : vector<16xi1>
    %select_n3A_121 = arith.select %or3A_120, %gather3A_112, %select_n3A_105 : vector<16xi1>, vector<16xf32>
    %select_n3A_122 = arith.select %or3A_120, %gather3A_115, %select_n3A_106 : vector<16xi1>, vector<16xi32>
    %xor3A_123 = arith.constant 1 : i32
    %xor3A_124 = vector.broadcast %xor3A_123 : i32 to vector<16xi32>
    %xor3A_125 = arith.xori %iota3A, %xor3A_124 : vector<16xi32>
    %broadcast_in_dim3A_126 = vector.shape_cast %xor3A_125 : vector<16xi32> to vector<16x1xi32>
    %gather3A_127 = vector.shape_cast %broadcast_in_dim3A_126 : vector<16x1xi32> to vector<16xi32>
    %gather3A_128 = tpu.dynamic_gather %select_n3A_121[%gather3A_127] in [0] : vector<16xf32>, vector<16xi32> -> vector<16xf32>
    %broadcast_in_dim3A_129 = vector.shape_cast %xor3A_125 : vector<16xi32> to vector<16x1xi32>
    %gather3A_130 = vector.shape_cast %broadcast_in_dim3A_129 : vector<16x1xi32> to vector<16xi32>
    %gather3A_131 = tpu.dynamic_gather %select_n3A_122[%gather3A_130] in [0] : vector<16xi32>, vector<16xi32> -> vector<16xi32>
    %lt3A_132 = arith.cmpf olt, %gather3A_128, %select_n3A_121 : vector<16xf32>
    %eq3A_133 = arith.cmpf oeq, %gather3A_128, %select_n3A_121 : vector<16xf32>
    %lt3A_134 = arith.cmpi slt, %gather3A_131, %select_n3A_122 : vector<16xi32>
    %and3A_135 = arith.andi %eq3A_133, %lt3A_134 : vector<16xi1>
    %or3A_136 = arith.ori %lt3A_132, %and3A_135 : vector<16xi1>
    %select_n3A_137 = arith.select %or3A_136, %gather3A_128, %select_n3A_121 : vector<16xi1>, vector<16xf32>
    %select_n3A_138 = arith.select %or3A_136, %gather3A_131, %select_n3A_122 : vector<16xi1>, vector<16xi32>
    %eq3A_139 = arith.constant 0 : i32
    %eq3A_140 = vector.broadcast %eq3A_139 : i32 to vector<16xi32>
    %eq3A_141 = arith.cmpi eq, %iota3A, %eq3A_140 : vector<16xi32>
    %select_n3A_142 = arith.select %eq3A_141, %select_n3A_137, %broadcast_in_dim3A_69 : vector<16xi1>, vector<16xf32>
    %eq3A_143 = arith.constant 0 : i32
    %eq3A_144 = vector.broadcast %eq3A_143 : i32 to vector<16xi32>
    %eq3A_145 = arith.cmpi eq, %iota3A, %eq3A_144 : vector<16xi32>
    %select_n3A_146 = arith.select %eq3A_145, %select_n3A_138, %broadcast_in_dim3A_71 : vector<16xi1>, vector<16xi32>
    %mul3A_147 = arith.constant 16 : i32
    %mul3A_148 = vector.broadcast %mul3A_147 : i32 to vector<16xi32>
    %mul3A_149 = arith.muli %scan3A_66#9, %mul3A_148 : vector<16xi32>
    %add3A_150 = arith.addi %mul3A_149, %iota3A : vector<16xi32>
    %add3A_151 = vector.broadcast %mul3A_34 : i32 to vector<16xi32>
    %add3A_152 = arith.addi %add3A_150, %add3A_151 : vector<16xi32>
    %xor3A_153 = arith.constant 8 : i32
    %xor3A_154 = vector.broadcast %xor3A_153 : i32 to vector<16xi32>
    %xor3A_155 = arith.xori %iota3A, %xor3A_154 : vector<16xi32>
    %broadcast_in_dim3A_156 = vector.shape_cast %xor3A_155 : vector<16xi32> to vector<16x1xi32>
    %gather3A_157 = vector.shape_cast %broadcast_in_dim3A_156 : vector<16x1xi32> to vector<16xi32>
    %gather3A_158 = tpu.dynamic_gather %scan3A_66#1[%gather3A_157] in [0] : vector<16xf32>, vector<16xi32> -> vector<16xf32>
    %broadcast_in_dim3A_159 = vector.shape_cast %xor3A_155 : vector<16xi32> to vector<16x1xi32>
    %gather3A_160 = vector.shape_cast %broadcast_in_dim3A_159 : vector<16x1xi32> to vector<16xi32>
    %gather3A_161 = tpu.dynamic_gather %add3A_152[%gather3A_160] in [0] : vector<16xi32>, vector<16xi32> -> vector<16xi32>
    %lt3A_162 = arith.cmpf olt, %gather3A_158, %scan3A_66#1 : vector<16xf32>
    %eq3A_163 = arith.cmpf oeq, %gather3A_158, %scan3A_66#1 : vector<16xf32>
    %lt3A_164 = arith.cmpi slt, %gather3A_161, %add3A_152 : vector<16xi32>
    %and3A_165 = arith.andi %eq3A_163, %lt3A_164 : vector<16xi1>
    %or3A_166 = arith.ori %lt3A_162, %and3A_165 : vector<16xi1>
    %select_n3A_167 = arith.select %or3A_166, %gather3A_158, %scan3A_66#1 : vector<16xi1>, vector<16xf32>
    %select_n3A_168 = arith.select %or3A_166, %gather3A_161, %add3A_152 : vector<16xi1>, vector<16xi32>
    %xor3A_169 = arith.constant 4 : i32
    %xor3A_170 = vector.broadcast %xor3A_169 : i32 to vector<16xi32>
    %xor3A_171 = arith.xori %iota3A, %xor3A_170 : vector<16xi32>
    %broadcast_in_dim3A_172 = vector.shape_cast %xor3A_171 : vector<16xi32> to vector<16x1xi32>
    %gather3A_173 = vector.shape_cast %broadcast_in_dim3A_172 : vector<16x1xi32> to vector<16xi32>
    %gather3A_174 = tpu.dynamic_gather %select_n3A_167[%gather3A_173] in [0] : vector<16xf32>, vector<16xi32> -> vector<16xf32>
    %broadcast_in_dim3A_175 = vector.shape_cast %xor3A_171 : vector<16xi32> to vector<16x1xi32>
    %gather3A_176 = vector.shape_cast %broadcast_in_dim3A_175 : vector<16x1xi32> to vector<16xi32>
    %gather3A_177 = tpu.dynamic_gather %select_n3A_168[%gather3A_176] in [0] : vector<16xi32>, vector<16xi32> -> vector<16xi32>
    %lt3A_178 = arith.cmpf olt, %gather3A_174, %select_n3A_167 : vector<16xf32>
    %eq3A_179 = arith.cmpf oeq, %gather3A_174, %select_n3A_167 : vector<16xf32>
    %lt3A_180 = arith.cmpi slt, %gather3A_177, %select_n3A_168 : vector<16xi32>
    %and3A_181 = arith.andi %eq3A_179, %lt3A_180 : vector<16xi1>
    %or3A_182 = arith.ori %lt3A_178, %and3A_181 : vector<16xi1>
    %select_n3A_183 = arith.select %or3A_182, %gather3A_174, %select_n3A_167 : vector<16xi1>, vector<16xf32>
    %select_n3A_184 = arith.select %or3A_182, %gather3A_177, %select_n3A_168 : vector<16xi1>, vector<16xi32>
    %xor3A_185 = arith.constant 2 : i32
    %xor3A_186 = vector.broadcast %xor3A_185 : i32 to vector<16xi32>
    %xor3A_187 = arith.xori %iota3A, %xor3A_186 : vector<16xi32>
    %broadcast_in_dim3A_188 = vector.shape_cast %xor3A_187 : vector<16xi32> to vector<16x1xi32>
    %gather3A_189 = vector.shape_cast %broadcast_in_dim3A_188 : vector<16x1xi32> to vector<16xi32>
    %gather3A_190 = tpu.dynamic_gather %select_n3A_183[%gather3A_189] in [0] : vector<16xf32>, vector<16xi32> -> vector<16xf32>
    %broadcast_in_dim3A_191 = vector.shape_cast %xor3A_187 : vector<16xi32> to vector<16x1xi32>
    %gather3A_192 = vector.shape_cast %broadcast_in_dim3A_191 : vector<16x1xi32> to vector<16xi32>
    %gather3A_193 = tpu.dynamic_gather %select_n3A_184[%gather3A_192] in [0] : vector<16xi32>, vector<16xi32> -> vector<16xi32>
    %lt3A_194 = arith.cmpf olt, %gather3A_190, %select_n3A_183 : vector<16xf32>
    %eq3A_195 = arith.cmpf oeq, %gather3A_190, %select_n3A_183 : vector<16xf32>
    %lt3A_196 = arith.cmpi slt, %gather3A_193, %select_n3A_184 : vector<16xi32>
    %and3A_197 = arith.andi %eq3A_195, %lt3A_196 : vector<16xi1>
    %or3A_198 = arith.ori %lt3A_194, %and3A_197 : vector<16xi1>
    %select_n3A_199 = arith.select %or3A_198, %gather3A_190, %select_n3A_183 : vector<16xi1>, vector<16xf32>
    %select_n3A_200 = arith.select %or3A_198, %gather3A_193, %select_n3A_184 : vector<16xi1>, vector<16xi32>
    %xor3A_201 = arith.constant 1 : i32
    %xor3A_202 = vector.broadcast %xor3A_201 : i32 to vector<16xi32>
    %xor3A_203 = arith.xori %iota3A, %xor3A_202 : vector<16xi32>
    %broadcast_in_dim3A_204 = vector.shape_cast %xor3A_203 : vector<16xi32> to vector<16x1xi32>
    %gather3A_205 = vector.shape_cast %broadcast_in_dim3A_204 : vector<16x1xi32> to vector<16xi32>
    %gather3A_206 = tpu.dynamic_gather %select_n3A_199[%gather3A_205] in [0] : vector<16xf32>, vector<16xi32> -> vector<16xf32>
    %broadcast_in_dim3A_207 = vector.shape_cast %xor3A_203 : vector<16xi32> to vector<16x1xi32>
    %gather3A_208 = vector.shape_cast %broadcast_in_dim3A_207 : vector<16x1xi32> to vector<16xi32>
    %gather3A_209 = tpu.dynamic_gather %select_n3A_200[%gather3A_208] in [0] : vector<16xi32>, vector<16xi32> -> vector<16xi32>
    %lt3A_210 = arith.cmpf olt, %gather3A_206, %select_n3A_199 : vector<16xf32>
    %eq3A_211 = arith.cmpf oeq, %gather3A_206, %select_n3A_199 : vector<16xf32>
    %lt3A_212 = arith.cmpi slt, %gather3A_209, %select_n3A_200 : vector<16xi32>
    %and3A_213 = arith.andi %eq3A_211, %lt3A_212 : vector<16xi1>
    %or3A_214 = arith.ori %lt3A_210, %and3A_213 : vector<16xi1>
    %select_n3A_215 = arith.select %or3A_214, %gather3A_206, %select_n3A_199 : vector<16xi1>, vector<16xf32>
    %select_n3A_216 = arith.select %or3A_214, %gather3A_209, %select_n3A_200 : vector<16xi1>, vector<16xi32>
    %eq3A_217 = arith.constant 1 : i32
    %eq3A_218 = vector.broadcast %eq3A_217 : i32 to vector<16xi32>
    %eq3A_219 = arith.cmpi eq, %iota3A, %eq3A_218 : vector<16xi32>
    %select_n3A_220 = arith.select %eq3A_219, %select_n3A_215, %select_n3A_142 : vector<16xi1>, vector<16xf32>
    %eq3A_221 = arith.constant 1 : i32
    %eq3A_222 = vector.broadcast %eq3A_221 : i32 to vector<16xi32>
    %eq3A_223 = arith.cmpi eq, %iota3A, %eq3A_222 : vector<16xi32>
    %select_n3A_224 = arith.select %eq3A_223, %select_n3A_216, %select_n3A_146 : vector<16xi1>, vector<16xi32>
    %mul3A_225 = arith.constant 16 : i32
    %mul3A_226 = vector.broadcast %mul3A_225 : i32 to vector<16xi32>
    %mul3A_227 = arith.muli %scan3A_66#10, %mul3A_226 : vector<16xi32>
    %add3A_228 = arith.addi %mul3A_227, %iota3A : vector<16xi32>
    %add3A_229 = vector.broadcast %mul3A_34 : i32 to vector<16xi32>
    %add3A_230 = arith.addi %add3A_228, %add3A_229 : vector<16xi32>
    %xor3A_231 = arith.constant 8 : i32
    %xor3A_232 = vector.broadcast %xor3A_231 : i32 to vector<16xi32>
    %xor3A_233 = arith.xori %iota3A, %xor3A_232 : vector<16xi32>
    %broadcast_in_dim3A_234 = vector.shape_cast %xor3A_233 : vector<16xi32> to vector<16x1xi32>
    %gather3A_235 = vector.shape_cast %broadcast_in_dim3A_234 : vector<16x1xi32> to vector<16xi32>
    %gather3A_236 = tpu.dynamic_gather %scan3A_66#2[%gather3A_235] in [0] : vector<16xf32>, vector<16xi32> -> vector<16xf32>
    %broadcast_in_dim3A_237 = vector.shape_cast %xor3A_233 : vector<16xi32> to vector<16x1xi32>
    %gather3A_238 = vector.shape_cast %broadcast_in_dim3A_237 : vector<16x1xi32> to vector<16xi32>
    %gather3A_239 = tpu.dynamic_gather %add3A_230[%gather3A_238] in [0] : vector<16xi32>, vector<16xi32> -> vector<16xi32>
    %lt3A_240 = arith.cmpf olt, %gather3A_236, %scan3A_66#2 : vector<16xf32>
    %eq3A_241 = arith.cmpf oeq, %gather3A_236, %scan3A_66#2 : vector<16xf32>
    %lt3A_242 = arith.cmpi slt, %gather3A_239, %add3A_230 : vector<16xi32>
    %and3A_243 = arith.andi %eq3A_241, %lt3A_242 : vector<16xi1>
    %or3A_244 = arith.ori %lt3A_240, %and3A_243 : vector<16xi1>
    %select_n3A_245 = arith.select %or3A_244, %gather3A_236, %scan3A_66#2 : vector<16xi1>, vector<16xf32>
    %select_n3A_246 = arith.select %or3A_244, %gather3A_239, %add3A_230 : vector<16xi1>, vector<16xi32>
    %xor3A_247 = arith.constant 4 : i32
    %xor3A_248 = vector.broadcast %xor3A_247 : i32 to vector<16xi32>
    %xor3A_249 = arith.xori %iota3A, %xor3A_248 : vector<16xi32>
    %broadcast_in_dim3A_250 = vector.shape_cast %xor3A_249 : vector<16xi32> to vector<16x1xi32>
    %gather3A_251 = vector.shape_cast %broadcast_in_dim3A_250 : vector<16x1xi32> to vector<16xi32>
    %gather3A_252 = tpu.dynamic_gather %select_n3A_245[%gather3A_251] in [0] : vector<16xf32>, vector<16xi32> -> vector<16xf32>
    %broadcast_in_dim3A_253 = vector.shape_cast %xor3A_249 : vector<16xi32> to vector<16x1xi32>
    %gather3A_254 = vector.shape_cast %broadcast_in_dim3A_253 : vector<16x1xi32> to vector<16xi32>
    %gather3A_255 = tpu.dynamic_gather %select_n3A_246[%gather3A_254] in [0] : vector<16xi32>, vector<16xi32> -> vector<16xi32>
    %lt3A_256 = arith.cmpf olt, %gather3A_252, %select_n3A_245 : vector<16xf32>
    %eq3A_257 = arith.cmpf oeq, %gather3A_252, %select_n3A_245 : vector<16xf32>
    %lt3A_258 = arith.cmpi slt, %gather3A_255, %select_n3A_246 : vector<16xi32>
    %and3A_259 = arith.andi %eq3A_257, %lt3A_258 : vector<16xi1>
    %or3A_260 = arith.ori %lt3A_256, %and3A_259 : vector<16xi1>
    %select_n3A_261 = arith.select %or3A_260, %gather3A_252, %select_n3A_245 : vector<16xi1>, vector<16xf32>
    %select_n3A_262 = arith.select %or3A_260, %gather3A_255, %select_n3A_246 : vector<16xi1>, vector<16xi32>
    %xor3A_263 = arith.constant 2 : i32
    %xor3A_264 = vector.broadcast %xor3A_263 : i32 to vector<16xi32>
    %xor3A_265 = arith.xori %iota3A, %xor3A_264 : vector<16xi32>
    %broadcast_in_dim3A_266 = vector.shape_cast %xor3A_265 : vector<16xi32> to vector<16x1xi32>
    %gather3A_267 = vector.shape_cast %broadcast_in_dim3A_266 : vector<16x1xi32> to vector<16xi32>
    %gather3A_268 = tpu.dynamic_gather %select_n3A_261[%gather3A_267] in [0] : vector<16xf32>, vector<16xi32> -> vector<16xf32>
    %broadcast_in_dim3A_269 = vector.shape_cast %xor3A_265 : vector<16xi32> to vector<16x1xi32>
    %gather3A_270 = vector.shape_cast %broadcast_in_dim3A_269 : vector<16x1xi32> to vector<16xi32>
    %gather3A_271 = tpu.dynamic_gather %select_n3A_262[%gather3A_270] in [0] : vector<16xi32>, vector<16xi32> -> vector<16xi32>
    %lt3A_272 = arith.cmpf olt, %gather3A_268, %select_n3A_261 : vector<16xf32>
    %eq3A_273 = arith.cmpf oeq, %gather3A_268, %select_n3A_261 : vector<16xf32>
    %lt3A_274 = arith.cmpi slt, %gather3A_271, %select_n3A_262 : vector<16xi32>
    %and3A_275 = arith.andi %eq3A_273, %lt3A_274 : vector<16xi1>
    %or3A_276 = arith.ori %lt3A_272, %and3A_275 : vector<16xi1>
    %select_n3A_277 = arith.select %or3A_276, %gather3A_268, %select_n3A_261 : vector<16xi1>, vector<16xf32>
    %select_n3A_278 = arith.select %or3A_276, %gather3A_271, %select_n3A_262 : vector<16xi1>, vector<16xi32>
    %xor3A_279 = arith.constant 1 : i32
    %xor3A_280 = vector.broadcast %xor3A_279 : i32 to vector<16xi32>
    %xor3A_281 = arith.xori %iota3A, %xor3A_280 : vector<16xi32>
    %broadcast_in_dim3A_282 = vector.shape_cast %xor3A_281 : vector<16xi32> to vector<16x1xi32>
    %gather3A_283 = vector.shape_cast %broadcast_in_dim3A_282 : vector<16x1xi32> to vector<16xi32>
    %gather3A_284 = tpu.dynamic_gather %select_n3A_277[%gather3A_283] in [0] : vector<16xf32>, vector<16xi32> -> vector<16xf32>
    %broadcast_in_dim3A_285 = vector.shape_cast %xor3A_281 : vector<16xi32> to vector<16x1xi32>
    %gather3A_286 = vector.shape_cast %broadcast_in_dim3A_285 : vector<16x1xi32> to vector<16xi32>
    %gather3A_287 = tpu.dynamic_gather %select_n3A_278[%gather3A_286] in [0] : vector<16xi32>, vector<16xi32> -> vector<16xi32>
    %lt3A_288 = arith.cmpf olt, %gather3A_284, %select_n3A_277 : vector<16xf32>
    %eq3A_289 = arith.cmpf oeq, %gather3A_284, %select_n3A_277 : vector<16xf32>
    %lt3A_290 = arith.cmpi slt, %gather3A_287, %select_n3A_278 : vector<16xi32>
    %and3A_291 = arith.andi %eq3A_289, %lt3A_290 : vector<16xi1>
    %or3A_292 = arith.ori %lt3A_288, %and3A_291 : vector<16xi1>
    %select_n3A_293 = arith.select %or3A_292, %gather3A_284, %select_n3A_277 : vector<16xi1>, vector<16xf32>
    %select_n3A_294 = arith.select %or3A_292, %gather3A_287, %select_n3A_278 : vector<16xi1>, vector<16xi32>
    %eq3A_295 = arith.constant 2 : i32
    %eq3A_296 = vector.broadcast %eq3A_295 : i32 to vector<16xi32>
    %eq3A_297 = arith.cmpi eq, %iota3A, %eq3A_296 : vector<16xi32>
    %select_n3A_298 = arith.select %eq3A_297, %select_n3A_293, %select_n3A_220 : vector<16xi1>, vector<16xf32>
    %eq3A_299 = arith.constant 2 : i32
    %eq3A_300 = vector.broadcast %eq3A_299 : i32 to vector<16xi32>
    %eq3A_301 = arith.cmpi eq, %iota3A, %eq3A_300 : vector<16xi32>
    %select_n3A_302 = arith.select %eq3A_301, %select_n3A_294, %select_n3A_224 : vector<16xi1>, vector<16xi32>
    %mul3A_303 = arith.constant 16 : i32
    %mul3A_304 = vector.broadcast %mul3A_303 : i32 to vector<16xi32>
    %mul3A_305 = arith.muli %scan3A_66#11, %mul3A_304 : vector<16xi32>
    %add3A_306 = arith.addi %mul3A_305, %iota3A : vector<16xi32>
    %add3A_307 = vector.broadcast %mul3A_34 : i32 to vector<16xi32>
    %add3A_308 = arith.addi %add3A_306, %add3A_307 : vector<16xi32>
    %xor3A_309 = arith.constant 8 : i32
    %xor3A_310 = vector.broadcast %xor3A_309 : i32 to vector<16xi32>
    %xor3A_311 = arith.xori %iota3A, %xor3A_310 : vector<16xi32>
    %broadcast_in_dim3A_312 = vector.shape_cast %xor3A_311 : vector<16xi32> to vector<16x1xi32>
    %gather3A_313 = vector.shape_cast %broadcast_in_dim3A_312 : vector<16x1xi32> to vector<16xi32>
    %gather3A_314 = tpu.dynamic_gather %scan3A_66#3[%gather3A_313] in [0] : vector<16xf32>, vector<16xi32> -> vector<16xf32>
    %broadcast_in_dim3A_315 = vector.shape_cast %xor3A_311 : vector<16xi32> to vector<16x1xi32>
    %gather3A_316 = vector.shape_cast %broadcast_in_dim3A_315 : vector<16x1xi32> to vector<16xi32>
    %gather3A_317 = tpu.dynamic_gather %add3A_308[%gather3A_316] in [0] : vector<16xi32>, vector<16xi32> -> vector<16xi32>
    %lt3A_318 = arith.cmpf olt, %gather3A_314, %scan3A_66#3 : vector<16xf32>
    %eq3A_319 = arith.cmpf oeq, %gather3A_314, %scan3A_66#3 : vector<16xf32>
    %lt3A_320 = arith.cmpi slt, %gather3A_317, %add3A_308 : vector<16xi32>
    %and3A_321 = arith.andi %eq3A_319, %lt3A_320 : vector<16xi1>
    %or3A_322 = arith.ori %lt3A_318, %and3A_321 : vector<16xi1>
    %select_n3A_323 = arith.select %or3A_322, %gather3A_314, %scan3A_66#3 : vector<16xi1>, vector<16xf32>
    %select_n3A_324 = arith.select %or3A_322, %gather3A_317, %add3A_308 : vector<16xi1>, vector<16xi32>
    %xor3A_325 = arith.constant 4 : i32
    %xor3A_326 = vector.broadcast %xor3A_325 : i32 to vector<16xi32>
    %xor3A_327 = arith.xori %iota3A, %xor3A_326 : vector<16xi32>
    %broadcast_in_dim3A_328 = vector.shape_cast %xor3A_327 : vector<16xi32> to vector<16x1xi32>
    %gather3A_329 = vector.shape_cast %broadcast_in_dim3A_328 : vector<16x1xi32> to vector<16xi32>
    %gather3A_330 = tpu.dynamic_gather %select_n3A_323[%gather3A_329] in [0] : vector<16xf32>, vector<16xi32> -> vector<16xf32>
    %broadcast_in_dim3A_331 = vector.shape_cast %xor3A_327 : vector<16xi32> to vector<16x1xi32>
    %gather3A_332 = vector.shape_cast %broadcast_in_dim3A_331 : vector<16x1xi32> to vector<16xi32>
    %gather3A_333 = tpu.dynamic_gather %select_n3A_324[%gather3A_332] in [0] : vector<16xi32>, vector<16xi32> -> vector<16xi32>
    %lt3A_334 = arith.cmpf olt, %gather3A_330, %select_n3A_323 : vector<16xf32>
    %eq3A_335 = arith.cmpf oeq, %gather3A_330, %select_n3A_323 : vector<16xf32>
    %lt3A_336 = arith.cmpi slt, %gather3A_333, %select_n3A_324 : vector<16xi32>
    %and3A_337 = arith.andi %eq3A_335, %lt3A_336 : vector<16xi1>
    %or3A_338 = arith.ori %lt3A_334, %and3A_337 : vector<16xi1>
    %select_n3A_339 = arith.select %or3A_338, %gather3A_330, %select_n3A_323 : vector<16xi1>, vector<16xf32>
    %select_n3A_340 = arith.select %or3A_338, %gather3A_333, %select_n3A_324 : vector<16xi1>, vector<16xi32>
    %xor3A_341 = arith.constant 2 : i32
    %xor3A_342 = vector.broadcast %xor3A_341 : i32 to vector<16xi32>
    %xor3A_343 = arith.xori %iota3A, %xor3A_342 : vector<16xi32>
    %broadcast_in_dim3A_344 = vector.shape_cast %xor3A_343 : vector<16xi32> to vector<16x1xi32>
    %gather3A_345 = vector.shape_cast %broadcast_in_dim3A_344 : vector<16x1xi32> to vector<16xi32>
    %gather3A_346 = tpu.dynamic_gather %select_n3A_339[%gather3A_345] in [0] : vector<16xf32>, vector<16xi32> -> vector<16xf32>
    %broadcast_in_dim3A_347 = vector.shape_cast %xor3A_343 : vector<16xi32> to vector<16x1xi32>
    %gather3A_348 = vector.shape_cast %broadcast_in_dim3A_347 : vector<16x1xi32> to vector<16xi32>
    %gather3A_349 = tpu.dynamic_gather %select_n3A_340[%gather3A_348] in [0] : vector<16xi32>, vector<16xi32> -> vector<16xi32>
    %lt3A_350 = arith.cmpf olt, %gather3A_346, %select_n3A_339 : vector<16xf32>
    %eq3A_351 = arith.cmpf oeq, %gather3A_346, %select_n3A_339 : vector<16xf32>
    %lt3A_352 = arith.cmpi slt, %gather3A_349, %select_n3A_340 : vector<16xi32>
    %and3A_353 = arith.andi %eq3A_351, %lt3A_352 : vector<16xi1>
    %or3A_354 = arith.ori %lt3A_350, %and3A_353 : vector<16xi1>
    %select_n3A_355 = arith.select %or3A_354, %gather3A_346, %select_n3A_339 : vector<16xi1>, vector<16xf32>
    %select_n3A_356 = arith.select %or3A_354, %gather3A_349, %select_n3A_340 : vector<16xi1>, vector<16xi32>
    %xor3A_357 = arith.constant 1 : i32
    %xor3A_358 = vector.broadcast %xor3A_357 : i32 to vector<16xi32>
    %xor3A_359 = arith.xori %iota3A, %xor3A_358 : vector<16xi32>
    %broadcast_in_dim3A_360 = vector.shape_cast %xor3A_359 : vector<16xi32> to vector<16x1xi32>
    %gather3A_361 = vector.shape_cast %broadcast_in_dim3A_360 : vector<16x1xi32> to vector<16xi32>
    %gather3A_362 = tpu.dynamic_gather %select_n3A_355[%gather3A_361] in [0] : vector<16xf32>, vector<16xi32> -> vector<16xf32>
    %broadcast_in_dim3A_363 = vector.shape_cast %xor3A_359 : vector<16xi32> to vector<16x1xi32>
    %gather3A_364 = vector.shape_cast %broadcast_in_dim3A_363 : vector<16x1xi32> to vector<16xi32>
    %gather3A_365 = tpu.dynamic_gather %select_n3A_356[%gather3A_364] in [0] : vector<16xi32>, vector<16xi32> -> vector<16xi32>
    %lt3A_366 = arith.cmpf olt, %gather3A_362, %select_n3A_355 : vector<16xf32>
    %eq3A_367 = arith.cmpf oeq, %gather3A_362, %select_n3A_355 : vector<16xf32>
    %lt3A_368 = arith.cmpi slt, %gather3A_365, %select_n3A_356 : vector<16xi32>
    %and3A_369 = arith.andi %eq3A_367, %lt3A_368 : vector<16xi1>
    %or3A_370 = arith.ori %lt3A_366, %and3A_369 : vector<16xi1>
    %select_n3A_371 = arith.select %or3A_370, %gather3A_362, %select_n3A_355 : vector<16xi1>, vector<16xf32>
    %select_n3A_372 = arith.select %or3A_370, %gather3A_365, %select_n3A_356 : vector<16xi1>, vector<16xi32>
    %eq3A_373 = arith.constant 3 : i32
    %eq3A_374 = vector.broadcast %eq3A_373 : i32 to vector<16xi32>
    %eq3A_375 = arith.cmpi eq, %iota3A, %eq3A_374 : vector<16xi32>
    %select_n3A_376 = arith.select %eq3A_375, %select_n3A_371, %select_n3A_298 : vector<16xi1>, vector<16xf32>
    %eq3A_377 = arith.constant 3 : i32
    %eq3A_378 = vector.broadcast %eq3A_377 : i32 to vector<16xi32>
    %eq3A_379 = arith.cmpi eq, %iota3A, %eq3A_378 : vector<16xi32>
    %select_n3A_380 = arith.select %eq3A_379, %select_n3A_372, %select_n3A_302 : vector<16xi1>, vector<16xi32>
    %mul3A_381 = arith.constant 16 : i32
    %mul3A_382 = vector.broadcast %mul3A_381 : i32 to vector<16xi32>
    %mul3A_383 = arith.muli %scan3A_66#12, %mul3A_382 : vector<16xi32>
    %add3A_384 = arith.addi %mul3A_383, %iota3A : vector<16xi32>
    %add3A_385 = vector.broadcast %mul3A_34 : i32 to vector<16xi32>
    %add3A_386 = arith.addi %add3A_384, %add3A_385 : vector<16xi32>
    %xor3A_387 = arith.constant 8 : i32
    %xor3A_388 = vector.broadcast %xor3A_387 : i32 to vector<16xi32>
    %xor3A_389 = arith.xori %iota3A, %xor3A_388 : vector<16xi32>
    %broadcast_in_dim3A_390 = vector.shape_cast %xor3A_389 : vector<16xi32> to vector<16x1xi32>
    %gather3A_391 = vector.shape_cast %broadcast_in_dim3A_390 : vector<16x1xi32> to vector<16xi32>
    %gather3A_392 = tpu.dynamic_gather %scan3A_66#4[%gather3A_391] in [0] : vector<16xf32>, vector<16xi32> -> vector<16xf32>
    %broadcast_in_dim3A_393 = vector.shape_cast %xor3A_389 : vector<16xi32> to vector<16x1xi32>
    %gather3A_394 = vector.shape_cast %broadcast_in_dim3A_393 : vector<16x1xi32> to vector<16xi32>
    %gather3A_395 = tpu.dynamic_gather %add3A_386[%gather3A_394] in [0] : vector<16xi32>, vector<16xi32> -> vector<16xi32>
    %lt3A_396 = arith.cmpf olt, %gather3A_392, %scan3A_66#4 : vector<16xf32>
    %eq3A_397 = arith.cmpf oeq, %gather3A_392, %scan3A_66#4 : vector<16xf32>
    %lt3A_398 = arith.cmpi slt, %gather3A_395, %add3A_386 : vector<16xi32>
    %and3A_399 = arith.andi %eq3A_397, %lt3A_398 : vector<16xi1>
    %or3A_400 = arith.ori %lt3A_396, %and3A_399 : vector<16xi1>
    %select_n3A_401 = arith.select %or3A_400, %gather3A_392, %scan3A_66#4 : vector<16xi1>, vector<16xf32>
    %select_n3A_402 = arith.select %or3A_400, %gather3A_395, %add3A_386 : vector<16xi1>, vector<16xi32>
    %xor3A_403 = arith.constant 4 : i32
    %xor3A_404 = vector.broadcast %xor3A_403 : i32 to vector<16xi32>
    %xor3A_405 = arith.xori %iota3A, %xor3A_404 : vector<16xi32>
    %broadcast_in_dim3A_406 = vector.shape_cast %xor3A_405 : vector<16xi32> to vector<16x1xi32>
    %gather3A_407 = vector.shape_cast %broadcast_in_dim3A_406 : vector<16x1xi32> to vector<16xi32>
    %gather3A_408 = tpu.dynamic_gather %select_n3A_401[%gather3A_407] in [0] : vector<16xf32>, vector<16xi32> -> vector<16xf32>
    %broadcast_in_dim3A_409 = vector.shape_cast %xor3A_405 : vector<16xi32> to vector<16x1xi32>
    %gather3A_410 = vector.shape_cast %broadcast_in_dim3A_409 : vector<16x1xi32> to vector<16xi32>
    %gather3A_411 = tpu.dynamic_gather %select_n3A_402[%gather3A_410] in [0] : vector<16xi32>, vector<16xi32> -> vector<16xi32>
    %lt3A_412 = arith.cmpf olt, %gather3A_408, %select_n3A_401 : vector<16xf32>
    %eq3A_413 = arith.cmpf oeq, %gather3A_408, %select_n3A_401 : vector<16xf32>
    %lt3A_414 = arith.cmpi slt, %gather3A_411, %select_n3A_402 : vector<16xi32>
    %and3A_415 = arith.andi %eq3A_413, %lt3A_414 : vector<16xi1>
    %or3A_416 = arith.ori %lt3A_412, %and3A_415 : vector<16xi1>
    %select_n3A_417 = arith.select %or3A_416, %gather3A_408, %select_n3A_401 : vector<16xi1>, vector<16xf32>
    %select_n3A_418 = arith.select %or3A_416, %gather3A_411, %select_n3A_402 : vector<16xi1>, vector<16xi32>
    %xor3A_419 = arith.constant 2 : i32
    %xor3A_420 = vector.broadcast %xor3A_419 : i32 to vector<16xi32>
    %xor3A_421 = arith.xori %iota3A, %xor3A_420 : vector<16xi32>
    %broadcast_in_dim3A_422 = vector.shape_cast %xor3A_421 : vector<16xi32> to vector<16x1xi32>
    %gather3A_423 = vector.shape_cast %broadcast_in_dim3A_422 : vector<16x1xi32> to vector<16xi32>
    %gather3A_424 = tpu.dynamic_gather %select_n3A_417[%gather3A_423] in [0] : vector<16xf32>, vector<16xi32> -> vector<16xf32>
    %broadcast_in_dim3A_425 = vector.shape_cast %xor3A_421 : vector<16xi32> to vector<16x1xi32>
    %gather3A_426 = vector.shape_cast %broadcast_in_dim3A_425 : vector<16x1xi32> to vector<16xi32>
    %gather3A_427 = tpu.dynamic_gather %select_n3A_418[%gather3A_426] in [0] : vector<16xi32>, vector<16xi32> -> vector<16xi32>
    %lt3A_428 = arith.cmpf olt, %gather3A_424, %select_n3A_417 : vector<16xf32>
    %eq3A_429 = arith.cmpf oeq, %gather3A_424, %select_n3A_417 : vector<16xf32>
    %lt3A_430 = arith.cmpi slt, %gather3A_427, %select_n3A_418 : vector<16xi32>
    %and3A_431 = arith.andi %eq3A_429, %lt3A_430 : vector<16xi1>
    %or3A_432 = arith.ori %lt3A_428, %and3A_431 : vector<16xi1>
    %select_n3A_433 = arith.select %or3A_432, %gather3A_424, %select_n3A_417 : vector<16xi1>, vector<16xf32>
    %select_n3A_434 = arith.select %or3A_432, %gather3A_427, %select_n3A_418 : vector<16xi1>, vector<16xi32>
    %xor3A_435 = arith.constant 1 : i32
    %xor3A_436 = vector.broadcast %xor3A_435 : i32 to vector<16xi32>
    %xor3A_437 = arith.xori %iota3A, %xor3A_436 : vector<16xi32>
    %broadcast_in_dim3A_438 = vector.shape_cast %xor3A_437 : vector<16xi32> to vector<16x1xi32>
    %gather3A_439 = vector.shape_cast %broadcast_in_dim3A_438 : vector<16x1xi32> to vector<16xi32>
    %gather3A_440 = tpu.dynamic_gather %select_n3A_433[%gather3A_439] in [0] : vector<16xf32>, vector<16xi32> -> vector<16xf32>
    %broadcast_in_dim3A_441 = vector.shape_cast %xor3A_437 : vector<16xi32> to vector<16x1xi32>
    %gather3A_442 = vector.shape_cast %broadcast_in_dim3A_441 : vector<16x1xi32> to vector<16xi32>
    %gather3A_443 = tpu.dynamic_gather %select_n3A_434[%gather3A_442] in [0] : vector<16xi32>, vector<16xi32> -> vector<16xi32>
    %lt3A_444 = arith.cmpf olt, %gather3A_440, %select_n3A_433 : vector<16xf32>
    %eq3A_445 = arith.cmpf oeq, %gather3A_440, %select_n3A_433 : vector<16xf32>
    %lt3A_446 = arith.cmpi slt, %gather3A_443, %select_n3A_434 : vector<16xi32>
    %and3A_447 = arith.andi %eq3A_445, %lt3A_446 : vector<16xi1>
    %or3A_448 = arith.ori %lt3A_444, %and3A_447 : vector<16xi1>
    %select_n3A_449 = arith.select %or3A_448, %gather3A_440, %select_n3A_433 : vector<16xi1>, vector<16xf32>
    %select_n3A_450 = arith.select %or3A_448, %gather3A_443, %select_n3A_434 : vector<16xi1>, vector<16xi32>
    %eq3A_451 = arith.constant 4 : i32
    %eq3A_452 = vector.broadcast %eq3A_451 : i32 to vector<16xi32>
    %eq3A_453 = arith.cmpi eq, %iota3A, %eq3A_452 : vector<16xi32>
    %select_n3A_454 = arith.select %eq3A_453, %select_n3A_449, %select_n3A_376 : vector<16xi1>, vector<16xf32>
    %eq3A_455 = arith.constant 4 : i32
    %eq3A_456 = vector.broadcast %eq3A_455 : i32 to vector<16xi32>
    %eq3A_457 = arith.cmpi eq, %iota3A, %eq3A_456 : vector<16xi32>
    %select_n3A_458 = arith.select %eq3A_457, %select_n3A_450, %select_n3A_380 : vector<16xi1>, vector<16xi32>
    %mul3A_459 = arith.constant 16 : i32
    %mul3A_460 = vector.broadcast %mul3A_459 : i32 to vector<16xi32>
    %mul3A_461 = arith.muli %scan3A_66#13, %mul3A_460 : vector<16xi32>
    %add3A_462 = arith.addi %mul3A_461, %iota3A : vector<16xi32>
    %add3A_463 = vector.broadcast %mul3A_34 : i32 to vector<16xi32>
    %add3A_464 = arith.addi %add3A_462, %add3A_463 : vector<16xi32>
    %xor3A_465 = arith.constant 8 : i32
    %xor3A_466 = vector.broadcast %xor3A_465 : i32 to vector<16xi32>
    %xor3A_467 = arith.xori %iota3A, %xor3A_466 : vector<16xi32>
    %broadcast_in_dim3A_468 = vector.shape_cast %xor3A_467 : vector<16xi32> to vector<16x1xi32>
    %gather3A_469 = vector.shape_cast %broadcast_in_dim3A_468 : vector<16x1xi32> to vector<16xi32>
    %gather3A_470 = tpu.dynamic_gather %scan3A_66#5[%gather3A_469] in [0] : vector<16xf32>, vector<16xi32> -> vector<16xf32>
    %broadcast_in_dim3A_471 = vector.shape_cast %xor3A_467 : vector<16xi32> to vector<16x1xi32>
    %gather3A_472 = vector.shape_cast %broadcast_in_dim3A_471 : vector<16x1xi32> to vector<16xi32>
    %gather3A_473 = tpu.dynamic_gather %add3A_464[%gather3A_472] in [0] : vector<16xi32>, vector<16xi32> -> vector<16xi32>
    %lt3A_474 = arith.cmpf olt, %gather3A_470, %scan3A_66#5 : vector<16xf32>
    %eq3A_475 = arith.cmpf oeq, %gather3A_470, %scan3A_66#5 : vector<16xf32>
    %lt3A_476 = arith.cmpi slt, %gather3A_473, %add3A_464 : vector<16xi32>
    %and3A_477 = arith.andi %eq3A_475, %lt3A_476 : vector<16xi1>
    %or3A_478 = arith.ori %lt3A_474, %and3A_477 : vector<16xi1>
    %select_n3A_479 = arith.select %or3A_478, %gather3A_470, %scan3A_66#5 : vector<16xi1>, vector<16xf32>
    %select_n3A_480 = arith.select %or3A_478, %gather3A_473, %add3A_464 : vector<16xi1>, vector<16xi32>
    %xor3A_481 = arith.constant 4 : i32
    %xor3A_482 = vector.broadcast %xor3A_481 : i32 to vector<16xi32>
    %xor3A_483 = arith.xori %iota3A, %xor3A_482 : vector<16xi32>
    %broadcast_in_dim3A_484 = vector.shape_cast %xor3A_483 : vector<16xi32> to vector<16x1xi32>
    %gather3A_485 = vector.shape_cast %broadcast_in_dim3A_484 : vector<16x1xi32> to vector<16xi32>
    %gather3A_486 = tpu.dynamic_gather %select_n3A_479[%gather3A_485] in [0] : vector<16xf32>, vector<16xi32> -> vector<16xf32>
    %broadcast_in_dim3A_487 = vector.shape_cast %xor3A_483 : vector<16xi32> to vector<16x1xi32>
    %gather3A_488 = vector.shape_cast %broadcast_in_dim3A_487 : vector<16x1xi32> to vector<16xi32>
    %gather3A_489 = tpu.dynamic_gather %select_n3A_480[%gather3A_488] in [0] : vector<16xi32>, vector<16xi32> -> vector<16xi32>
    %lt3A_490 = arith.cmpf olt, %gather3A_486, %select_n3A_479 : vector<16xf32>
    %eq3A_491 = arith.cmpf oeq, %gather3A_486, %select_n3A_479 : vector<16xf32>
    %lt3A_492 = arith.cmpi slt, %gather3A_489, %select_n3A_480 : vector<16xi32>
    %and3A_493 = arith.andi %eq3A_491, %lt3A_492 : vector<16xi1>
    %or3A_494 = arith.ori %lt3A_490, %and3A_493 : vector<16xi1>
    %select_n3A_495 = arith.select %or3A_494, %gather3A_486, %select_n3A_479 : vector<16xi1>, vector<16xf32>
    %select_n3A_496 = arith.select %or3A_494, %gather3A_489, %select_n3A_480 : vector<16xi1>, vector<16xi32>
    %xor3A_497 = arith.constant 2 : i32
    %xor3A_498 = vector.broadcast %xor3A_497 : i32 to vector<16xi32>
    %xor3A_499 = arith.xori %iota3A, %xor3A_498 : vector<16xi32>
    %broadcast_in_dim3A_500 = vector.shape_cast %xor3A_499 : vector<16xi32> to vector<16x1xi32>
    %gather3A_501 = vector.shape_cast %broadcast_in_dim3A_500 : vector<16x1xi32> to vector<16xi32>
    %gather3A_502 = tpu.dynamic_gather %select_n3A_495[%gather3A_501] in [0] : vector<16xf32>, vector<16xi32> -> vector<16xf32>
    %broadcast_in_dim3A_503 = vector.shape_cast %xor3A_499 : vector<16xi32> to vector<16x1xi32>
    %gather3A_504 = vector.shape_cast %broadcast_in_dim3A_503 : vector<16x1xi32> to vector<16xi32>
    %gather3A_505 = tpu.dynamic_gather %select_n3A_496[%gather3A_504] in [0] : vector<16xi32>, vector<16xi32> -> vector<16xi32>
    %lt3A_506 = arith.cmpf olt, %gather3A_502, %select_n3A_495 : vector<16xf32>
    %eq3A_507 = arith.cmpf oeq, %gather3A_502, %select_n3A_495 : vector<16xf32>
    %lt3A_508 = arith.cmpi slt, %gather3A_505, %select_n3A_496 : vector<16xi32>
    %and3A_509 = arith.andi %eq3A_507, %lt3A_508 : vector<16xi1>
    %or3A_510 = arith.ori %lt3A_506, %and3A_509 : vector<16xi1>
    %select_n3A_511 = arith.select %or3A_510, %gather3A_502, %select_n3A_495 : vector<16xi1>, vector<16xf32>
    %select_n3A_512 = arith.select %or3A_510, %gather3A_505, %select_n3A_496 : vector<16xi1>, vector<16xi32>
    %xor3A_513 = arith.constant 1 : i32
    %xor3A_514 = vector.broadcast %xor3A_513 : i32 to vector<16xi32>
    %xor3A_515 = arith.xori %iota3A, %xor3A_514 : vector<16xi32>
    %broadcast_in_dim3A_516 = vector.shape_cast %xor3A_515 : vector<16xi32> to vector<16x1xi32>
    %gather3A_517 = vector.shape_cast %broadcast_in_dim3A_516 : vector<16x1xi32> to vector<16xi32>
    %gather3A_518 = tpu.dynamic_gather %select_n3A_511[%gather3A_517] in [0] : vector<16xf32>, vector<16xi32> -> vector<16xf32>
    %broadcast_in_dim3A_519 = vector.shape_cast %xor3A_515 : vector<16xi32> to vector<16x1xi32>
    %gather3A_520 = vector.shape_cast %broadcast_in_dim3A_519 : vector<16x1xi32> to vector<16xi32>
    %gather3A_521 = tpu.dynamic_gather %select_n3A_512[%gather3A_520] in [0] : vector<16xi32>, vector<16xi32> -> vector<16xi32>
    %lt3A_522 = arith.cmpf olt, %gather3A_518, %select_n3A_511 : vector<16xf32>
    %eq3A_523 = arith.cmpf oeq, %gather3A_518, %select_n3A_511 : vector<16xf32>
    %lt3A_524 = arith.cmpi slt, %gather3A_521, %select_n3A_512 : vector<16xi32>
    %and3A_525 = arith.andi %eq3A_523, %lt3A_524 : vector<16xi1>
    %or3A_526 = arith.ori %lt3A_522, %and3A_525 : vector<16xi1>
    %select_n3A_527 = arith.select %or3A_526, %gather3A_518, %select_n3A_511 : vector<16xi1>, vector<16xf32>
    %select_n3A_528 = arith.select %or3A_526, %gather3A_521, %select_n3A_512 : vector<16xi1>, vector<16xi32>
    %eq3A_529 = arith.constant 5 : i32
    %eq3A_530 = vector.broadcast %eq3A_529 : i32 to vector<16xi32>
    %eq3A_531 = arith.cmpi eq, %iota3A, %eq3A_530 : vector<16xi32>
    %select_n3A_532 = arith.select %eq3A_531, %select_n3A_527, %select_n3A_454 : vector<16xi1>, vector<16xf32>
    %eq3A_533 = arith.constant 5 : i32
    %eq3A_534 = vector.broadcast %eq3A_533 : i32 to vector<16xi32>
    %eq3A_535 = arith.cmpi eq, %iota3A, %eq3A_534 : vector<16xi32>
    %select_n3A_536 = arith.select %eq3A_535, %select_n3A_528, %select_n3A_458 : vector<16xi1>, vector<16xi32>
    %mul3A_537 = arith.constant 16 : i32
    %mul3A_538 = vector.broadcast %mul3A_537 : i32 to vector<16xi32>
    %mul3A_539 = arith.muli %scan3A_66#14, %mul3A_538 : vector<16xi32>
    %add3A_540 = arith.addi %mul3A_539, %iota3A : vector<16xi32>
    %add3A_541 = vector.broadcast %mul3A_34 : i32 to vector<16xi32>
    %add3A_542 = arith.addi %add3A_540, %add3A_541 : vector<16xi32>
    %xor3A_543 = arith.constant 8 : i32
    %xor3A_544 = vector.broadcast %xor3A_543 : i32 to vector<16xi32>
    %xor3A_545 = arith.xori %iota3A, %xor3A_544 : vector<16xi32>
    %broadcast_in_dim3A_546 = vector.shape_cast %xor3A_545 : vector<16xi32> to vector<16x1xi32>
    %gather3A_547 = vector.shape_cast %broadcast_in_dim3A_546 : vector<16x1xi32> to vector<16xi32>
    %gather3A_548 = tpu.dynamic_gather %scan3A_66#6[%gather3A_547] in [0] : vector<16xf32>, vector<16xi32> -> vector<16xf32>
    %broadcast_in_dim3A_549 = vector.shape_cast %xor3A_545 : vector<16xi32> to vector<16x1xi32>
    %gather3A_550 = vector.shape_cast %broadcast_in_dim3A_549 : vector<16x1xi32> to vector<16xi32>
    %gather3A_551 = tpu.dynamic_gather %add3A_542[%gather3A_550] in [0] : vector<16xi32>, vector<16xi32> -> vector<16xi32>
    %lt3A_552 = arith.cmpf olt, %gather3A_548, %scan3A_66#6 : vector<16xf32>
    %eq3A_553 = arith.cmpf oeq, %gather3A_548, %scan3A_66#6 : vector<16xf32>
    %lt3A_554 = arith.cmpi slt, %gather3A_551, %add3A_542 : vector<16xi32>
    %and3A_555 = arith.andi %eq3A_553, %lt3A_554 : vector<16xi1>
    %or3A_556 = arith.ori %lt3A_552, %and3A_555 : vector<16xi1>
    %select_n3A_557 = arith.select %or3A_556, %gather3A_548, %scan3A_66#6 : vector<16xi1>, vector<16xf32>
    %select_n3A_558 = arith.select %or3A_556, %gather3A_551, %add3A_542 : vector<16xi1>, vector<16xi32>
    %xor3A_559 = arith.constant 4 : i32
    %xor3A_560 = vector.broadcast %xor3A_559 : i32 to vector<16xi32>
    %xor3A_561 = arith.xori %iota3A, %xor3A_560 : vector<16xi32>
    %broadcast_in_dim3A_562 = vector.shape_cast %xor3A_561 : vector<16xi32> to vector<16x1xi32>
    %gather3A_563 = vector.shape_cast %broadcast_in_dim3A_562 : vector<16x1xi32> to vector<16xi32>
    %gather3A_564 = tpu.dynamic_gather %select_n3A_557[%gather3A_563] in [0] : vector<16xf32>, vector<16xi32> -> vector<16xf32>
    %broadcast_in_dim3A_565 = vector.shape_cast %xor3A_561 : vector<16xi32> to vector<16x1xi32>
    %gather3A_566 = vector.shape_cast %broadcast_in_dim3A_565 : vector<16x1xi32> to vector<16xi32>
    %gather3A_567 = tpu.dynamic_gather %select_n3A_558[%gather3A_566] in [0] : vector<16xi32>, vector<16xi32> -> vector<16xi32>
    %lt3A_568 = arith.cmpf olt, %gather3A_564, %select_n3A_557 : vector<16xf32>
    %eq3A_569 = arith.cmpf oeq, %gather3A_564, %select_n3A_557 : vector<16xf32>
    %lt3A_570 = arith.cmpi slt, %gather3A_567, %select_n3A_558 : vector<16xi32>
    %and3A_571 = arith.andi %eq3A_569, %lt3A_570 : vector<16xi1>
    %or3A_572 = arith.ori %lt3A_568, %and3A_571 : vector<16xi1>
    %select_n3A_573 = arith.select %or3A_572, %gather3A_564, %select_n3A_557 : vector<16xi1>, vector<16xf32>
    %select_n3A_574 = arith.select %or3A_572, %gather3A_567, %select_n3A_558 : vector<16xi1>, vector<16xi32>
    %xor3A_575 = arith.constant 2 : i32
    %xor3A_576 = vector.broadcast %xor3A_575 : i32 to vector<16xi32>
    %xor3A_577 = arith.xori %iota3A, %xor3A_576 : vector<16xi32>
    %broadcast_in_dim3A_578 = vector.shape_cast %xor3A_577 : vector<16xi32> to vector<16x1xi32>
    %gather3A_579 = vector.shape_cast %broadcast_in_dim3A_578 : vector<16x1xi32> to vector<16xi32>
    %gather3A_580 = tpu.dynamic_gather %select_n3A_573[%gather3A_579] in [0] : vector<16xf32>, vector<16xi32> -> vector<16xf32>
    %broadcast_in_dim3A_581 = vector.shape_cast %xor3A_577 : vector<16xi32> to vector<16x1xi32>
    %gather3A_582 = vector.shape_cast %broadcast_in_dim3A_581 : vector<16x1xi32> to vector<16xi32>
    %gather3A_583 = tpu.dynamic_gather %select_n3A_574[%gather3A_582] in [0] : vector<16xi32>, vector<16xi32> -> vector<16xi32>
    %lt3A_584 = arith.cmpf olt, %gather3A_580, %select_n3A_573 : vector<16xf32>
    %eq3A_585 = arith.cmpf oeq, %gather3A_580, %select_n3A_573 : vector<16xf32>
    %lt3A_586 = arith.cmpi slt, %gather3A_583, %select_n3A_574 : vector<16xi32>
    %and3A_587 = arith.andi %eq3A_585, %lt3A_586 : vector<16xi1>
    %or3A_588 = arith.ori %lt3A_584, %and3A_587 : vector<16xi1>
    %select_n3A_589 = arith.select %or3A_588, %gather3A_580, %select_n3A_573 : vector<16xi1>, vector<16xf32>
    %select_n3A_590 = arith.select %or3A_588, %gather3A_583, %select_n3A_574 : vector<16xi1>, vector<16xi32>
    %xor3A_591 = arith.constant 1 : i32
    %xor3A_592 = vector.broadcast %xor3A_591 : i32 to vector<16xi32>
    %xor3A_593 = arith.xori %iota3A, %xor3A_592 : vector<16xi32>
    %broadcast_in_dim3A_594 = vector.shape_cast %xor3A_593 : vector<16xi32> to vector<16x1xi32>
    %gather3A_595 = vector.shape_cast %broadcast_in_dim3A_594 : vector<16x1xi32> to vector<16xi32>
    %gather3A_596 = tpu.dynamic_gather %select_n3A_589[%gather3A_595] in [0] : vector<16xf32>, vector<16xi32> -> vector<16xf32>
    %broadcast_in_dim3A_597 = vector.shape_cast %xor3A_593 : vector<16xi32> to vector<16x1xi32>
    %gather3A_598 = vector.shape_cast %broadcast_in_dim3A_597 : vector<16x1xi32> to vector<16xi32>
    %gather3A_599 = tpu.dynamic_gather %select_n3A_590[%gather3A_598] in [0] : vector<16xi32>, vector<16xi32> -> vector<16xi32>
    %lt3A_600 = arith.cmpf olt, %gather3A_596, %select_n3A_589 : vector<16xf32>
    %eq3A_601 = arith.cmpf oeq, %gather3A_596, %select_n3A_589 : vector<16xf32>
    %lt3A_602 = arith.cmpi slt, %gather3A_599, %select_n3A_590 : vector<16xi32>
    %and3A_603 = arith.andi %eq3A_601, %lt3A_602 : vector<16xi1>
    %or3A_604 = arith.ori %lt3A_600, %and3A_603 : vector<16xi1>
    %select_n3A_605 = arith.select %or3A_604, %gather3A_596, %select_n3A_589 : vector<16xi1>, vector<16xf32>
    %select_n3A_606 = arith.select %or3A_604, %gather3A_599, %select_n3A_590 : vector<16xi1>, vector<16xi32>
    %eq3A_607 = arith.constant 6 : i32
    %eq3A_608 = vector.broadcast %eq3A_607 : i32 to vector<16xi32>
    %eq3A_609 = arith.cmpi eq, %iota3A, %eq3A_608 : vector<16xi32>
    %select_n3A_610 = arith.select %eq3A_609, %select_n3A_605, %select_n3A_532 : vector<16xi1>, vector<16xf32>
    %eq3A_611 = arith.constant 6 : i32
    %eq3A_612 = vector.broadcast %eq3A_611 : i32 to vector<16xi32>
    %eq3A_613 = arith.cmpi eq, %iota3A, %eq3A_612 : vector<16xi32>
    %select_n3A_614 = arith.select %eq3A_613, %select_n3A_606, %select_n3A_536 : vector<16xi1>, vector<16xi32>
    %mul3A_615 = arith.constant 16 : i32
    %mul3A_616 = vector.broadcast %mul3A_615 : i32 to vector<16xi32>
    %mul3A_617 = arith.muli %scan3A_66#15, %mul3A_616 : vector<16xi32>
    %add3A_618 = arith.addi %mul3A_617, %iota3A : vector<16xi32>
    %add3A_619 = vector.broadcast %mul3A_34 : i32 to vector<16xi32>
    %add3A_620 = arith.addi %add3A_618, %add3A_619 : vector<16xi32>
    %xor3A_621 = arith.constant 8 : i32
    %xor3A_622 = vector.broadcast %xor3A_621 : i32 to vector<16xi32>
    %xor3A_623 = arith.xori %iota3A, %xor3A_622 : vector<16xi32>
    %broadcast_in_dim3A_624 = vector.shape_cast %xor3A_623 : vector<16xi32> to vector<16x1xi32>
    %gather3A_625 = vector.shape_cast %broadcast_in_dim3A_624 : vector<16x1xi32> to vector<16xi32>
    %gather3A_626 = tpu.dynamic_gather %scan3A_66#7[%gather3A_625] in [0] : vector<16xf32>, vector<16xi32> -> vector<16xf32>
    %broadcast_in_dim3A_627 = vector.shape_cast %xor3A_623 : vector<16xi32> to vector<16x1xi32>
    %gather3A_628 = vector.shape_cast %broadcast_in_dim3A_627 : vector<16x1xi32> to vector<16xi32>
    %gather3A_629 = tpu.dynamic_gather %add3A_620[%gather3A_628] in [0] : vector<16xi32>, vector<16xi32> -> vector<16xi32>
    %lt3A_630 = arith.cmpf olt, %gather3A_626, %scan3A_66#7 : vector<16xf32>
    %eq3A_631 = arith.cmpf oeq, %gather3A_626, %scan3A_66#7 : vector<16xf32>
    %lt3A_632 = arith.cmpi slt, %gather3A_629, %add3A_620 : vector<16xi32>
    %and3A_633 = arith.andi %eq3A_631, %lt3A_632 : vector<16xi1>
    %or3A_634 = arith.ori %lt3A_630, %and3A_633 : vector<16xi1>
    %select_n3A_635 = arith.select %or3A_634, %gather3A_626, %scan3A_66#7 : vector<16xi1>, vector<16xf32>
    %select_n3A_636 = arith.select %or3A_634, %gather3A_629, %add3A_620 : vector<16xi1>, vector<16xi32>
    %xor3A_637 = arith.constant 4 : i32
    %xor3A_638 = vector.broadcast %xor3A_637 : i32 to vector<16xi32>
    %xor3A_639 = arith.xori %iota3A, %xor3A_638 : vector<16xi32>
    %broadcast_in_dim3A_640 = vector.shape_cast %xor3A_639 : vector<16xi32> to vector<16x1xi32>
    %gather3A_641 = vector.shape_cast %broadcast_in_dim3A_640 : vector<16x1xi32> to vector<16xi32>
    %gather3A_642 = tpu.dynamic_gather %select_n3A_635[%gather3A_641] in [0] : vector<16xf32>, vector<16xi32> -> vector<16xf32>
    %broadcast_in_dim3A_643 = vector.shape_cast %xor3A_639 : vector<16xi32> to vector<16x1xi32>
    %gather3A_644 = vector.shape_cast %broadcast_in_dim3A_643 : vector<16x1xi32> to vector<16xi32>
    %gather3A_645 = tpu.dynamic_gather %select_n3A_636[%gather3A_644] in [0] : vector<16xi32>, vector<16xi32> -> vector<16xi32>
    %lt3A_646 = arith.cmpf olt, %gather3A_642, %select_n3A_635 : vector<16xf32>
    %eq3A_647 = arith.cmpf oeq, %gather3A_642, %select_n3A_635 : vector<16xf32>
    %lt3A_648 = arith.cmpi slt, %gather3A_645, %select_n3A_636 : vector<16xi32>
    %and3A_649 = arith.andi %eq3A_647, %lt3A_648 : vector<16xi1>
    %or3A_650 = arith.ori %lt3A_646, %and3A_649 : vector<16xi1>
    %select_n3A_651 = arith.select %or3A_650, %gather3A_642, %select_n3A_635 : vector<16xi1>, vector<16xf32>
    %select_n3A_652 = arith.select %or3A_650, %gather3A_645, %select_n3A_636 : vector<16xi1>, vector<16xi32>
    %xor3A_653 = arith.constant 2 : i32
    %xor3A_654 = vector.broadcast %xor3A_653 : i32 to vector<16xi32>
    %xor3A_655 = arith.xori %iota3A, %xor3A_654 : vector<16xi32>
    %broadcast_in_dim3A_656 = vector.shape_cast %xor3A_655 : vector<16xi32> to vector<16x1xi32>
    %gather3A_657 = vector.shape_cast %broadcast_in_dim3A_656 : vector<16x1xi32> to vector<16xi32>
    %gather3A_658 = tpu.dynamic_gather %select_n3A_651[%gather3A_657] in [0] : vector<16xf32>, vector<16xi32> -> vector<16xf32>
    %broadcast_in_dim3A_659 = vector.shape_cast %xor3A_655 : vector<16xi32> to vector<16x1xi32>
    %gather3A_660 = vector.shape_cast %broadcast_in_dim3A_659 : vector<16x1xi32> to vector<16xi32>
    %gather3A_661 = tpu.dynamic_gather %select_n3A_652[%gather3A_660] in [0] : vector<16xi32>, vector<16xi32> -> vector<16xi32>
    %lt3A_662 = arith.cmpf olt, %gather3A_658, %select_n3A_651 : vector<16xf32>
    %eq3A_663 = arith.cmpf oeq, %gather3A_658, %select_n3A_651 : vector<16xf32>
    %lt3A_664 = arith.cmpi slt, %gather3A_661, %select_n3A_652 : vector<16xi32>
    %and3A_665 = arith.andi %eq3A_663, %lt3A_664 : vector<16xi1>
    %or3A_666 = arith.ori %lt3A_662, %and3A_665 : vector<16xi1>
    %select_n3A_667 = arith.select %or3A_666, %gather3A_658, %select_n3A_651 : vector<16xi1>, vector<16xf32>
    %select_n3A_668 = arith.select %or3A_666, %gather3A_661, %select_n3A_652 : vector<16xi1>, vector<16xi32>
    %xor3A_669 = arith.constant 1 : i32
    %xor3A_670 = vector.broadcast %xor3A_669 : i32 to vector<16xi32>
    %xor3A_671 = arith.xori %iota3A, %xor3A_670 : vector<16xi32>
    %broadcast_in_dim3A_672 = vector.shape_cast %xor3A_671 : vector<16xi32> to vector<16x1xi32>
    %gather3A_673 = vector.shape_cast %broadcast_in_dim3A_672 : vector<16x1xi32> to vector<16xi32>
    %gather3A_674 = tpu.dynamic_gather %select_n3A_667[%gather3A_673] in [0] : vector<16xf32>, vector<16xi32> -> vector<16xf32>
    %broadcast_in_dim3A_675 = vector.shape_cast %xor3A_671 : vector<16xi32> to vector<16x1xi32>
    %gather3A_676 = vector.shape_cast %broadcast_in_dim3A_675 : vector<16x1xi32> to vector<16xi32>
    %gather3A_677 = tpu.dynamic_gather %select_n3A_668[%gather3A_676] in [0] : vector<16xi32>, vector<16xi32> -> vector<16xi32>
    %lt3A_678 = arith.cmpf olt, %gather3A_674, %select_n3A_667 : vector<16xf32>
    %eq3A_679 = arith.cmpf oeq, %gather3A_674, %select_n3A_667 : vector<16xf32>
    %lt3A_680 = arith.cmpi slt, %gather3A_677, %select_n3A_668 : vector<16xi32>
    %and3A_681 = arith.andi %eq3A_679, %lt3A_680 : vector<16xi1>
    %or3A_682 = arith.ori %lt3A_678, %and3A_681 : vector<16xi1>
    %select_n3A_683 = arith.select %or3A_682, %gather3A_674, %select_n3A_667 : vector<16xi1>, vector<16xf32>
    %select_n3A_684 = arith.select %or3A_682, %gather3A_677, %select_n3A_668 : vector<16xi1>, vector<16xi32>
    %eq3A_685 = arith.constant 7 : i32
    %eq3A_686 = vector.broadcast %eq3A_685 : i32 to vector<16xi32>
    %eq3A_687 = arith.cmpi eq, %iota3A, %eq3A_686 : vector<16xi32>
    %select_n3A_688 = arith.select %eq3A_687, %select_n3A_683, %select_n3A_610 : vector<16xi1>, vector<16xf32>
    %eq3A_689 = arith.constant 7 : i32
    %eq3A_690 = vector.broadcast %eq3A_689 : i32 to vector<16xi32>
    %eq3A_691 = arith.cmpi eq, %iota3A, %eq3A_690 : vector<16xi32>
    %select_n3A_692 = arith.select %eq3A_691, %select_n3A_684, %select_n3A_614 : vector<16xi1>, vector<16xi32>
    %mul3A_693 = arith.constant 8 : i32
    %mul3A_694 = arith.muli %add3A, %mul3A_693 : i32
    %add3A_695 = arith.addi %mul3A_694, %select_n3A_30 : i32
    %swap3A = arith.constant 0 : index
    %swap3A_696 = tpu.vector_load %arg7[%swap3A] {strides = array<i32>} : memref<16xf32, #tpu.memory_space<vmem>>, vector<16xf32>,
    %swap3A_697 = vector.shape_cast %swap3A_696 : vector<16xf32> to vector<16xf32>
    %swap3A_698 = vector.shape_cast %select_n3A_688 : vector<16xf32> to vector<16xf32>
    tpu.vector_store %arg7[%swap3A], %swap3A_698 {strides = array<i32>} : memref<16xf32, #tpu.memory_space<vmem>>, vector<16xf32>,
    %swap3A_699 = arith.constant 0 : index
    %swap3A_700 = tpu.vector_load %arg8[%swap3A_699] {strides = array<i32>} : memref<16xi32, #tpu.memory_space<vmem>>, vector<16xi32>,
    %swap3A_701 = vector.shape_cast %swap3A_700 : vector<16xi32> to vector<16xi32>
    %swap3A_702 = vector.shape_cast %select_n3A_692 : vector<16xi32> to vector<16xi32>
    tpu.vector_store %arg8[%swap3A_699], %swap3A_702 {strides = array<i32>} : memref<16xi32, #tpu.memory_space<vmem>>, vector<16xi32>,
    "tpu.region"() ({
      %run_scoped3A = tpu.sem_alloc : memref<!tpu.dma_semaphore, #tpu.memory_space<semaphore_mem>>
      %dma_start3A_706 = arith.constant 0 : i32
      %dma_start3A_707 = tpu.memref_slice %arg4[%add3A_695, %dma_start3A_706] : memref<32x16xf32, #tpu.memory_space<hbm>> -> memref<1x16xf32, #tpu.memory_space<hbm>>
      %dma_start3A_708 = tpu.memref_squeeze %dma_start3A_707 : memref<1x16xf32, #tpu.memory_space<hbm>> -> memref<16xf32, #tpu.memory_space<hbm>>
      %dma_start3A_709 = arith.constant 0 : i32
      %dma_start3A_710 = tpu.memref_slice %arg4[%add3A_695, %dma_start3A_709] : memref<32x16xf32, #tpu.memory_space<hbm>> -> memref<1x16xf32, #tpu.memory_space<hbm>>
      %dma_start3A_711 = tpu.memref_squeeze %dma_start3A_710 : memref<1x16xf32, #tpu.memory_space<hbm>> -> memref<16xf32, #tpu.memory_space<hbm>>
      tpu.enqueue_dma source(%arg7 : memref<16xf32, #tpu.memory_space<vmem>>) target(%dma_start3A_711 : memref<16xf32, #tpu.memory_space<hbm>>) target_semaphore(%run_scoped3A : memref<!tpu.dma_semaphore, #tpu.memory_space<semaphore_mem>>)
      %dma_wait3A = arith.constant 0 : i32
      %dma_wait3A_712 = tpu.memref_slice %arg4[%add3A_695, %dma_wait3A] : memref<32x16xf32, #tpu.memory_space<hbm>> -> memref<1x16xf32, #tpu.memory_space<hbm>>
      %dma_wait3A_713 = tpu.memref_squeeze %dma_wait3A_712 : memref<1x16xf32, #tpu.memory_space<hbm>> -> memref<16xf32, #tpu.memory_space<hbm>>
      %dma_wait3A_714 = arith.constant 0 : i32
      %dma_wait3A_715 = tpu.memref_slice %arg4[%add3A_695, %dma_wait3A_714] : memref<32x16xf32, #tpu.memory_space<hbm>> -> memref<1x16xf32, #tpu.memory_space<hbm>>
      %dma_wait3A_716 = tpu.memref_squeeze %dma_wait3A_715 : memref<1x16xf32, #tpu.memory_space<hbm>> -> memref<16xf32, #tpu.memory_space<hbm>>
      tpu.wait_dma2 semaphore(%run_scoped3A : memref<!tpu.dma_semaphore, #tpu.memory_space<semaphore_mem>>) src(%arg7 : memref<16xf32, #tpu.memory_space<vmem>>) dst(%dma_wait3A_716 : memref<16xf32, #tpu.memory_space<hbm>>)
      tpu.yield
    }) : () -> ()
    "tpu.region"() ({
      %run_scoped3A = tpu.sem_alloc : memref<!tpu.dma_semaphore, #tpu.memory_space<semaphore_mem>>
      %dma_start3A_706 = arith.constant 0 : i32
      %dma_start3A_707 = tpu.memref_slice %arg5[%add3A_695, %dma_start3A_706] : memref<32x16xi32, #tpu.memory_space<hbm>> -> memref<1x16xi32, #tpu.memory_space<hbm>>
      %dma_start3A_708 = tpu.memref_squeeze %dma_start3A_707 : memref<1x16xi32, #tpu.memory_space<hbm>> -> memref<16xi32, #tpu.memory_space<hbm>>
      %dma_start3A_709 = arith.constant 0 : i32
      %dma_start3A_710 = tpu.memref_slice %arg5[%add3A_695, %dma_start3A_709] : memref<32x16xi32, #tpu.memory_space<hbm>> -> memref<1x16xi32, #tpu.memory_space<hbm>>
      %dma_start3A_711 = tpu.memref_squeeze %dma_start3A_710 : memref<1x16xi32, #tpu.memory_space<hbm>> -> memref<16xi32, #tpu.memory_space<hbm>>
      tpu.enqueue_dma source(%arg8 : memref<16xi32, #tpu.memory_space<vmem>>) target(%dma_start3A_711 : memref<16xi32, #tpu.memory_space<hbm>>) target_semaphore(%run_scoped3A : memref<!tpu.dma_semaphore, #tpu.memory_space<semaphore_mem>>)
      %dma_wait3A = arith.constant 0 : i32
      %dma_wait3A_712 = tpu.memref_slice %arg5[%add3A_695, %dma_wait3A] : memref<32x16xi32, #tpu.memory_space<hbm>> -> memref<1x16xi32, #tpu.memory_space<hbm>>
      %dma_wait3A_713 = tpu.memref_squeeze %dma_wait3A_712 : memref<1x16xi32, #tpu.memory_space<hbm>> -> memref<16xi32, #tpu.memory_space<hbm>>
      %dma_wait3A_714 = arith.constant 0 : i32
      %dma_wait3A_715 = tpu.memref_slice %arg5[%add3A_695, %dma_wait3A_714] : memref<32x16xi32, #tpu.memory_space<hbm>> -> memref<1x16xi32, #tpu.memory_space<hbm>>
      %dma_wait3A_716 = tpu.memref_squeeze %dma_wait3A_715 : memref<1x16xi32, #tpu.memory_space<hbm>> -> memref<16xi32, #tpu.memory_space<hbm>>
      tpu.wait_dma2 semaphore(%run_scoped3A : memref<!tpu.dma_semaphore, #tpu.memory_space<semaphore_mem>>) src(%arg8 : memref<16xi32, #tpu.memory_space<vmem>>) dst(%dma_wait3A_716 : memref<16xi32, #tpu.memory_space<hbm>>)
      tpu.yield
    }) : () -> ()
    %barrier3A = arith.constant 0 : index
    tpu.barrier barrier_id(%barrier3A)
    %eq3A_703 = arith.constant 0 : i32
    %eq3A_704 = arith.cmpi eq, %select_n3A_30, %eq3A_703 : i32
    %convert_element_type3A = arith.extui %eq3A_704 : i1 to i32
    %cond3A = arith.constant 0 : i32
    %cond3A_705 = arith.cmpi ne, %convert_element_type3A, %cond3A : i32
    scf.if %cond3A_705 {
      %add3A_706 = arith.constant 1 : i32
      %add3A_707 = arith.addi %add3A_695, %add3A_706 : i32
      "tpu.region"() ({
        %run_scoped3A = tpu.sem_alloc : memref<!tpu.dma_semaphore, #tpu.memory_space<semaphore_mem>>
        %dma_start3A_828 = arith.constant 0 : i32
        %dma_start3A_829 = tpu.memref_slice %arg4[%add3A_707, %dma_start3A_828] : memref<32x16xf32, #tpu.memory_space<hbm>> -> memref<1x16xf32, #tpu.memory_space<hbm>>
        %dma_start3A_830 = tpu.memref_squeeze %dma_start3A_829 : memref<1x16xf32, #tpu.memory_space<hbm>> -> memref<16xf32, #tpu.memory_space<hbm>>
        %dma_start3A_831 = arith.constant 0 : i32
        %dma_start3A_832 = tpu.memref_slice %arg4[%add3A_707, %dma_start3A_831] : memref<32x16xf32, #tpu.memory_space<hbm>> -> memref<1x16xf32, #tpu.memory_space<hbm>>
        %dma_start3A_833 = tpu.memref_squeeze %dma_start3A_832 : memref<1x16xf32, #tpu.memory_space<hbm>> -> memref<16xf32, #tpu.memory_space<hbm>>
        tpu.enqueue_dma source(%dma_start3A_833 : memref<16xf32, #tpu.memory_space<hbm>>) target(%arg9 : memref<16xf32, #tpu.memory_space<vmem>>) target_semaphore(%run_scoped3A : memref<!tpu.dma_semaphore, #tpu.memory_space<semaphore_mem>>)
        %dma_wait3A = arith.constant 0 : i32
        %dma_wait3A_834 = tpu.memref_slice %arg4[%add3A_707, %dma_wait3A] : memref<32x16xf32, #tpu.memory_space<hbm>> -> memref<1x16xf32, #tpu.memory_space<hbm>>
        %dma_wait3A_835 = tpu.memref_squeeze %dma_wait3A_834 : memref<1x16xf32, #tpu.memory_space<hbm>> -> memref<16xf32, #tpu.memory_space<hbm>>
        %dma_wait3A_836 = arith.constant 0 : i32
        %dma_wait3A_837 = tpu.memref_slice %arg4[%add3A_707, %dma_wait3A_836] : memref<32x16xf32, #tpu.memory_space<hbm>> -> memref<1x16xf32, #tpu.memory_space<hbm>>
        %dma_wait3A_838 = tpu.memref_squeeze %dma_wait3A_837 : memref<1x16xf32, #tpu.memory_space<hbm>> -> memref<16xf32, #tpu.memory_space<hbm>>
        tpu.wait_dma2 semaphore(%run_scoped3A : memref<!tpu.dma_semaphore, #tpu.memory_space<semaphore_mem>>) src(%dma_wait3A_838 : memref<16xf32, #tpu.memory_space<hbm>>) dst(%arg9 : memref<16xf32, #tpu.memory_space<vmem>>)
        tpu.yield
      }) : () -> ()
      %add3A_708 = arith.constant 1 : i32
      %add3A_709 = arith.addi %add3A_695, %add3A_708 : i32
      "tpu.region"() ({
        %run_scoped3A = tpu.sem_alloc : memref<!tpu.dma_semaphore, #tpu.memory_space<semaphore_mem>>
        %dma_start3A_828 = arith.constant 0 : i32
        %dma_start3A_829 = tpu.memref_slice %arg5[%add3A_709, %dma_start3A_828] : memref<32x16xi32, #tpu.memory_space<hbm>> -> memref<1x16xi32, #tpu.memory_space<hbm>>
        %dma_start3A_830 = tpu.memref_squeeze %dma_start3A_829 : memref<1x16xi32, #tpu.memory_space<hbm>> -> memref<16xi32, #tpu.memory_space<hbm>>
        %dma_start3A_831 = arith.constant 0 : i32
        %dma_start3A_832 = tpu.memref_slice %arg5[%add3A_709, %dma_start3A_831] : memref<32x16xi32, #tpu.memory_space<hbm>> -> memref<1x16xi32, #tpu.memory_space<hbm>>
        %dma_start3A_833 = tpu.memref_squeeze %dma_start3A_832 : memref<1x16xi32, #tpu.memory_space<hbm>> -> memref<16xi32, #tpu.memory_space<hbm>>
        tpu.enqueue_dma source(%dma_start3A_833 : memref<16xi32, #tpu.memory_space<hbm>>) target(%arg10 : memref<16xi32, #tpu.memory_space<vmem>>) target_semaphore(%run_scoped3A : memref<!tpu.dma_semaphore, #tpu.memory_space<semaphore_mem>>)
        %dma_wait3A = arith.constant 0 : i32
        %dma_wait3A_834 = tpu.memref_slice %arg5[%add3A_709, %dma_wait3A] : memref<32x16xi32, #tpu.memory_space<hbm>> -> memref<1x16xi32, #tpu.memory_space<hbm>>
        %dma_wait3A_835 = tpu.memref_squeeze %dma_wait3A_834 : memref<1x16xi32, #tpu.memory_space<hbm>> -> memref<16xi32, #tpu.memory_space<hbm>>
        %dma_wait3A_836 = arith.constant 0 : i32
        %dma_wait3A_837 = tpu.memref_slice %arg5[%add3A_709, %dma_wait3A_836] : memref<32x16xi32, #tpu.memory_space<hbm>> -> memref<1x16xi32, #tpu.memory_space<hbm>>
        %dma_wait3A_838 = tpu.memref_squeeze %dma_wait3A_837 : memref<1x16xi32, #tpu.memory_space<hbm>> -> memref<16xi32, #tpu.memory_space<hbm>>
        tpu.wait_dma2 semaphore(%run_scoped3A : memref<!tpu.dma_semaphore, #tpu.memory_space<semaphore_mem>>) src(%dma_wait3A_838 : memref<16xi32, #tpu.memory_space<hbm>>) dst(%arg10 : memref<16xi32, #tpu.memory_space<vmem>>)
        tpu.yield
      }) : () -> ()
      %get3A = arith.constant 0 : index
      %get3A_710 = tpu.vector_load %arg9[%get3A] {strides = array<i32>} : memref<16xf32, #tpu.memory_space<vmem>>, vector<16xf32>,
      %get3A_711 = vector.shape_cast %get3A_710 : vector<16xf32> to vector<16xf32>
      %get3A_712 = arith.constant 0 : index
      %get3A_713 = tpu.vector_load %arg10[%get3A_712] {strides = array<i32>} : memref<16xi32, #tpu.memory_space<vmem>>, vector<16xi32>,
      %get3A_714 = vector.shape_cast %get3A_713 : vector<16xi32> to vector<16xi32>
      %lt3A_715 = arith.cmpf olt, %get3A_711, %select_n3A_688 : vector<16xf32>
      %eq3A_716 = arith.cmpf oeq, %get3A_711, %select_n3A_688 : vector<16xf32>
      %lt3A_717 = arith.cmpi slt, %get3A_714, %select_n3A_692 : vector<16xi32>
      %and3A_718 = arith.andi %eq3A_716, %lt3A_717 : vector<16xi1>
      %or3A_719 = arith.ori %lt3A_715, %and3A_718 : vector<16xi1>
      %select_n3A_720 = arith.select %or3A_719, %get3A_711, %select_n3A_688 : vector<16xi1>, vector<16xf32>
      %select_n3A_721 = arith.select %or3A_719, %get3A_714, %select_n3A_692 : vector<16xi1>, vector<16xi32>
      %add3A_722 = arith.constant 2 : i32
      %add3A_723 = arith.addi %add3A_695, %add3A_722 : i32
      "tpu.region"() ({
        %run_scoped3A = tpu.sem_alloc : memref<!tpu.dma_semaphore, #tpu.memory_space<semaphore_mem>>
        %dma_start3A_828 = arith.constant 0 : i32
        %dma_start3A_829 = tpu.memref_slice %arg4[%add3A_723, %dma_start3A_828] : memref<32x16xf32, #tpu.memory_space<hbm>> -> memref<1x16xf32, #tpu.memory_space<hbm>>
        %dma_start3A_830 = tpu.memref_squeeze %dma_start3A_829 : memref<1x16xf32, #tpu.memory_space<hbm>> -> memref<16xf32, #tpu.memory_space<hbm>>
        %dma_start3A_831 = arith.constant 0 : i32
        %dma_start3A_832 = tpu.memref_slice %arg4[%add3A_723, %dma_start3A_831] : memref<32x16xf32, #tpu.memory_space<hbm>> -> memref<1x16xf32, #tpu.memory_space<hbm>>
        %dma_start3A_833 = tpu.memref_squeeze %dma_start3A_832 : memref<1x16xf32, #tpu.memory_space<hbm>> -> memref<16xf32, #tpu.memory_space<hbm>>
        tpu.enqueue_dma source(%dma_start3A_833 : memref<16xf32, #tpu.memory_space<hbm>>) target(%arg9 : memref<16xf32, #tpu.memory_space<vmem>>) target_semaphore(%run_scoped3A : memref<!tpu.dma_semaphore, #tpu.memory_space<semaphore_mem>>)
        %dma_wait3A = arith.constant 0 : i32
        %dma_wait3A_834 = tpu.memref_slice %arg4[%add3A_723, %dma_wait3A] : memref<32x16xf32, #tpu.memory_space<hbm>> -> memref<1x16xf32, #tpu.memory_space<hbm>>
        %dma_wait3A_835 = tpu.memref_squeeze %dma_wait3A_834 : memref<1x16xf32, #tpu.memory_space<hbm>> -> memref<16xf32, #tpu.memory_space<hbm>>
        %dma_wait3A_836 = arith.constant 0 : i32
        %dma_wait3A_837 = tpu.memref_slice %arg4[%add3A_723, %dma_wait3A_836] : memref<32x16xf32, #tpu.memory_space<hbm>> -> memref<1x16xf32, #tpu.memory_space<hbm>>
        %dma_wait3A_838 = tpu.memref_squeeze %dma_wait3A_837 : memref<1x16xf32, #tpu.memory_space<hbm>> -> memref<16xf32, #tpu.memory_space<hbm>>
        tpu.wait_dma2 semaphore(%run_scoped3A : memref<!tpu.dma_semaphore, #tpu.memory_space<semaphore_mem>>) src(%dma_wait3A_838 : memref<16xf32, #tpu.memory_space<hbm>>) dst(%arg9 : memref<16xf32, #tpu.memory_space<vmem>>)
        tpu.yield
      }) : () -> ()
      %add3A_724 = arith.constant 2 : i32
      %add3A_725 = arith.addi %add3A_695, %add3A_724 : i32
      "tpu.region"() ({
        %run_scoped3A = tpu.sem_alloc : memref<!tpu.dma_semaphore, #tpu.memory_space<semaphore_mem>>
        %dma_start3A_828 = arith.constant 0 : i32
        %dma_start3A_829 = tpu.memref_slice %arg5[%add3A_725, %dma_start3A_828] : memref<32x16xi32, #tpu.memory_space<hbm>> -> memref<1x16xi32, #tpu.memory_space<hbm>>
        %dma_start3A_830 = tpu.memref_squeeze %dma_start3A_829 : memref<1x16xi32, #tpu.memory_space<hbm>> -> memref<16xi32, #tpu.memory_space<hbm>>
        %dma_start3A_831 = arith.constant 0 : i32
        %dma_start3A_832 = tpu.memref_slice %arg5[%add3A_725, %dma_start3A_831] : memref<32x16xi32, #tpu.memory_space<hbm>> -> memref<1x16xi32, #tpu.memory_space<hbm>>
        %dma_start3A_833 = tpu.memref_squeeze %dma_start3A_832 : memref<1x16xi32, #tpu.memory_space<hbm>> -> memref<16xi32, #tpu.memory_space<hbm>>
        tpu.enqueue_dma source(%dma_start3A_833 : memref<16xi32, #tpu.memory_space<hbm>>) target(%arg10 : memref<16xi32, #tpu.memory_space<vmem>>) target_semaphore(%run_scoped3A : memref<!tpu.dma_semaphore, #tpu.memory_space<semaphore_mem>>)
        %dma_wait3A = arith.constant 0 : i32
        %dma_wait3A_834 = tpu.memref_slice %arg5[%add3A_725, %dma_wait3A] : memref<32x16xi32, #tpu.memory_space<hbm>> -> memref<1x16xi32, #tpu.memory_space<hbm>>
        %dma_wait3A_835 = tpu.memref_squeeze %dma_wait3A_834 : memref<1x16xi32, #tpu.memory_space<hbm>> -> memref<16xi32, #tpu.memory_space<hbm>>
        %dma_wait3A_836 = arith.constant 0 : i32
        %dma_wait3A_837 = tpu.memref_slice %arg5[%add3A_725, %dma_wait3A_836] : memref<32x16xi32, #tpu.memory_space<hbm>> -> memref<1x16xi32, #tpu.memory_space<hbm>>
        %dma_wait3A_838 = tpu.memref_squeeze %dma_wait3A_837 : memref<1x16xi32, #tpu.memory_space<hbm>> -> memref<16xi32, #tpu.memory_space<hbm>>
        tpu.wait_dma2 semaphore(%run_scoped3A : memref<!tpu.dma_semaphore, #tpu.memory_space<semaphore_mem>>) src(%dma_wait3A_838 : memref<16xi32, #tpu.memory_space<hbm>>) dst(%arg10 : memref<16xi32, #tpu.memory_space<vmem>>)
        tpu.yield
      }) : () -> ()
      %get3A_726 = arith.constant 0 : index
      %get3A_727 = tpu.vector_load %arg9[%get3A_726] {strides = array<i32>} : memref<16xf32, #tpu.memory_space<vmem>>, vector<16xf32>,
      %get3A_728 = vector.shape_cast %get3A_727 : vector<16xf32> to vector<16xf32>
      %get3A_729 = arith.constant 0 : index
      %get3A_730 = tpu.vector_load %arg10[%get3A_729] {strides = array<i32>} : memref<16xi32, #tpu.memory_space<vmem>>, vector<16xi32>,
      %get3A_731 = vector.shape_cast %get3A_730 : vector<16xi32> to vector<16xi32>
      %lt3A_732 = arith.cmpf olt, %get3A_728, %select_n3A_720 : vector<16xf32>
      %eq3A_733 = arith.cmpf oeq, %get3A_728, %select_n3A_720 : vector<16xf32>
      %lt3A_734 = arith.cmpi slt, %get3A_731, %select_n3A_721 : vector<16xi32>
      %and3A_735 = arith.andi %eq3A_733, %lt3A_734 : vector<16xi1>
      %or3A_736 = arith.ori %lt3A_732, %and3A_735 : vector<16xi1>
      %select_n3A_737 = arith.select %or3A_736, %get3A_728, %select_n3A_720 : vector<16xi1>, vector<16xf32>
      %select_n3A_738 = arith.select %or3A_736, %get3A_731, %select_n3A_721 : vector<16xi1>, vector<16xi32>
      %add3A_739 = arith.constant 3 : i32
      %add3A_740 = arith.addi %add3A_695, %add3A_739 : i32
      "tpu.region"() ({
        %run_scoped3A = tpu.sem_alloc : memref<!tpu.dma_semaphore, #tpu.memory_space<semaphore_mem>>
        %dma_start3A_828 = arith.constant 0 : i32
        %dma_start3A_829 = tpu.memref_slice %arg4[%add3A_740, %dma_start3A_828] : memref<32x16xf32, #tpu.memory_space<hbm>> -> memref<1x16xf32, #tpu.memory_space<hbm>>
        %dma_start3A_830 = tpu.memref_squeeze %dma_start3A_829 : memref<1x16xf32, #tpu.memory_space<hbm>> -> memref<16xf32, #tpu.memory_space<hbm>>
        %dma_start3A_831 = arith.constant 0 : i32
        %dma_start3A_832 = tpu.memref_slice %arg4[%add3A_740, %dma_start3A_831] : memref<32x16xf32, #tpu.memory_space<hbm>> -> memref<1x16xf32, #tpu.memory_space<hbm>>
        %dma_start3A_833 = tpu.memref_squeeze %dma_start3A_832 : memref<1x16xf32, #tpu.memory_space<hbm>> -> memref<16xf32, #tpu.memory_space<hbm>>
        tpu.enqueue_dma source(%dma_start3A_833 : memref<16xf32, #tpu.memory_space<hbm>>) target(%arg9 : memref<16xf32, #tpu.memory_space<vmem>>) target_semaphore(%run_scoped3A : memref<!tpu.dma_semaphore, #tpu.memory_space<semaphore_mem>>)
        %dma_wait3A = arith.constant 0 : i32
        %dma_wait3A_834 = tpu.memref_slice %arg4[%add3A_740, %dma_wait3A] : memref<32x16xf32, #tpu.memory_space<hbm>> -> memref<1x16xf32, #tpu.memory_space<hbm>>
        %dma_wait3A_835 = tpu.memref_squeeze %dma_wait3A_834 : memref<1x16xf32, #tpu.memory_space<hbm>> -> memref<16xf32, #tpu.memory_space<hbm>>
        %dma_wait3A_836 = arith.constant 0 : i32
        %dma_wait3A_837 = tpu.memref_slice %arg4[%add3A_740, %dma_wait3A_836] : memref<32x16xf32, #tpu.memory_space<hbm>> -> memref<1x16xf32, #tpu.memory_space<hbm>>
        %dma_wait3A_838 = tpu.memref_squeeze %dma_wait3A_837 : memref<1x16xf32, #tpu.memory_space<hbm>> -> memref<16xf32, #tpu.memory_space<hbm>>
        tpu.wait_dma2 semaphore(%run_scoped3A : memref<!tpu.dma_semaphore, #tpu.memory_space<semaphore_mem>>) src(%dma_wait3A_838 : memref<16xf32, #tpu.memory_space<hbm>>) dst(%arg9 : memref<16xf32, #tpu.memory_space<vmem>>)
        tpu.yield
      }) : () -> ()
      %add3A_741 = arith.constant 3 : i32
      %add3A_742 = arith.addi %add3A_695, %add3A_741 : i32
      "tpu.region"() ({
        %run_scoped3A = tpu.sem_alloc : memref<!tpu.dma_semaphore, #tpu.memory_space<semaphore_mem>>
        %dma_start3A_828 = arith.constant 0 : i32
        %dma_start3A_829 = tpu.memref_slice %arg5[%add3A_742, %dma_start3A_828] : memref<32x16xi32, #tpu.memory_space<hbm>> -> memref<1x16xi32, #tpu.memory_space<hbm>>
        %dma_start3A_830 = tpu.memref_squeeze %dma_start3A_829 : memref<1x16xi32, #tpu.memory_space<hbm>> -> memref<16xi32, #tpu.memory_space<hbm>>
        %dma_start3A_831 = arith.constant 0 : i32
        %dma_start3A_832 = tpu.memref_slice %arg5[%add3A_742, %dma_start3A_831] : memref<32x16xi32, #tpu.memory_space<hbm>> -> memref<1x16xi32, #tpu.memory_space<hbm>>
        %dma_start3A_833 = tpu.memref_squeeze %dma_start3A_832 : memref<1x16xi32, #tpu.memory_space<hbm>> -> memref<16xi32, #tpu.memory_space<hbm>>
        tpu.enqueue_dma source(%dma_start3A_833 : memref<16xi32, #tpu.memory_space<hbm>>) target(%arg10 : memref<16xi32, #tpu.memory_space<vmem>>) target_semaphore(%run_scoped3A : memref<!tpu.dma_semaphore, #tpu.memory_space<semaphore_mem>>)
        %dma_wait3A = arith.constant 0 : i32
        %dma_wait3A_834 = tpu.memref_slice %arg5[%add3A_742, %dma_wait3A] : memref<32x16xi32, #tpu.memory_space<hbm>> -> memref<1x16xi32, #tpu.memory_space<hbm>>
        %dma_wait3A_835 = tpu.memref_squeeze %dma_wait3A_834 : memref<1x16xi32, #tpu.memory_space<hbm>> -> memref<16xi32, #tpu.memory_space<hbm>>
        %dma_wait3A_836 = arith.constant 0 : i32
        %dma_wait3A_837 = tpu.memref_slice %arg5[%add3A_742, %dma_wait3A_836] : memref<32x16xi32, #tpu.memory_space<hbm>> -> memref<1x16xi32, #tpu.memory_space<hbm>>
        %dma_wait3A_838 = tpu.memref_squeeze %dma_wait3A_837 : memref<1x16xi32, #tpu.memory_space<hbm>> -> memref<16xi32, #tpu.memory_space<hbm>>
        tpu.wait_dma2 semaphore(%run_scoped3A : memref<!tpu.dma_semaphore, #tpu.memory_space<semaphore_mem>>) src(%dma_wait3A_838 : memref<16xi32, #tpu.memory_space<hbm>>) dst(%arg10 : memref<16xi32, #tpu.memory_space<vmem>>)
        tpu.yield
      }) : () -> ()
      %get3A_743 = arith.constant 0 : index
      %get3A_744 = tpu.vector_load %arg9[%get3A_743] {strides = array<i32>} : memref<16xf32, #tpu.memory_space<vmem>>, vector<16xf32>,
      %get3A_745 = vector.shape_cast %get3A_744 : vector<16xf32> to vector<16xf32>
      %get3A_746 = arith.constant 0 : index
      %get3A_747 = tpu.vector_load %arg10[%get3A_746] {strides = array<i32>} : memref<16xi32, #tpu.memory_space<vmem>>, vector<16xi32>,
      %get3A_748 = vector.shape_cast %get3A_747 : vector<16xi32> to vector<16xi32>
      %lt3A_749 = arith.cmpf olt, %get3A_745, %select_n3A_737 : vector<16xf32>
      %eq3A_750 = arith.cmpf oeq, %get3A_745, %select_n3A_737 : vector<16xf32>
      %lt3A_751 = arith.cmpi slt, %get3A_748, %select_n3A_738 : vector<16xi32>
      %and3A_752 = arith.andi %eq3A_750, %lt3A_751 : vector<16xi1>
      %or3A_753 = arith.ori %lt3A_749, %and3A_752 : vector<16xi1>
      %select_n3A_754 = arith.select %or3A_753, %get3A_745, %select_n3A_737 : vector<16xi1>, vector<16xf32>
      %select_n3A_755 = arith.select %or3A_753, %get3A_748, %select_n3A_738 : vector<16xi1>, vector<16xi32>
      %add3A_756 = arith.constant 4 : i32
      %add3A_757 = arith.addi %add3A_695, %add3A_756 : i32
      "tpu.region"() ({
        %run_scoped3A = tpu.sem_alloc : memref<!tpu.dma_semaphore, #tpu.memory_space<semaphore_mem>>
        %dma_start3A_828 = arith.constant 0 : i32
        %dma_start3A_829 = tpu.memref_slice %arg4[%add3A_757, %dma_start3A_828] : memref<32x16xf32, #tpu.memory_space<hbm>> -> memref<1x16xf32, #tpu.memory_space<hbm>>
        %dma_start3A_830 = tpu.memref_squeeze %dma_start3A_829 : memref<1x16xf32, #tpu.memory_space<hbm>> -> memref<16xf32, #tpu.memory_space<hbm>>
        %dma_start3A_831 = arith.constant 0 : i32
        %dma_start3A_832 = tpu.memref_slice %arg4[%add3A_757, %dma_start3A_831] : memref<32x16xf32, #tpu.memory_space<hbm>> -> memref<1x16xf32, #tpu.memory_space<hbm>>
        %dma_start3A_833 = tpu.memref_squeeze %dma_start3A_832 : memref<1x16xf32, #tpu.memory_space<hbm>> -> memref<16xf32, #tpu.memory_space<hbm>>
        tpu.enqueue_dma source(%dma_start3A_833 : memref<16xf32, #tpu.memory_space<hbm>>) target(%arg9 : memref<16xf32, #tpu.memory_space<vmem>>) target_semaphore(%run_scoped3A : memref<!tpu.dma_semaphore, #tpu.memory_space<semaphore_mem>>)
        %dma_wait3A = arith.constant 0 : i32
        %dma_wait3A_834 = tpu.memref_slice %arg4[%add3A_757, %dma_wait3A] : memref<32x16xf32, #tpu.memory_space<hbm>> -> memref<1x16xf32, #tpu.memory_space<hbm>>
        %dma_wait3A_835 = tpu.memref_squeeze %dma_wait3A_834 : memref<1x16xf32, #tpu.memory_space<hbm>> -> memref<16xf32, #tpu.memory_space<hbm>>
        %dma_wait3A_836 = arith.constant 0 : i32
        %dma_wait3A_837 = tpu.memref_slice %arg4[%add3A_757, %dma_wait3A_836] : memref<32x16xf32, #tpu.memory_space<hbm>> -> memref<1x16xf32, #tpu.memory_space<hbm>>
        %dma_wait3A_838 = tpu.memref_squeeze %dma_wait3A_837 : memref<1x16xf32, #tpu.memory_space<hbm>> -> memref<16xf32, #tpu.memory_space<hbm>>
        tpu.wait_dma2 semaphore(%run_scoped3A : memref<!tpu.dma_semaphore, #tpu.memory_space<semaphore_mem>>) src(%dma_wait3A_838 : memref<16xf32, #tpu.memory_space<hbm>>) dst(%arg9 : memref<16xf32, #tpu.memory_space<vmem>>)
        tpu.yield
      }) : () -> ()
      %add3A_758 = arith.constant 4 : i32
      %add3A_759 = arith.addi %add3A_695, %add3A_758 : i32
      "tpu.region"() ({
        %run_scoped3A = tpu.sem_alloc : memref<!tpu.dma_semaphore, #tpu.memory_space<semaphore_mem>>
        %dma_start3A_828 = arith.constant 0 : i32
        %dma_start3A_829 = tpu.memref_slice %arg5[%add3A_759, %dma_start3A_828] : memref<32x16xi32, #tpu.memory_space<hbm>> -> memref<1x16xi32, #tpu.memory_space<hbm>>
        %dma_start3A_830 = tpu.memref_squeeze %dma_start3A_829 : memref<1x16xi32, #tpu.memory_space<hbm>> -> memref<16xi32, #tpu.memory_space<hbm>>
        %dma_start3A_831 = arith.constant 0 : i32
        %dma_start3A_832 = tpu.memref_slice %arg5[%add3A_759, %dma_start3A_831] : memref<32x16xi32, #tpu.memory_space<hbm>> -> memref<1x16xi32, #tpu.memory_space<hbm>>
        %dma_start3A_833 = tpu.memref_squeeze %dma_start3A_832 : memref<1x16xi32, #tpu.memory_space<hbm>> -> memref<16xi32, #tpu.memory_space<hbm>>
        tpu.enqueue_dma source(%dma_start3A_833 : memref<16xi32, #tpu.memory_space<hbm>>) target(%arg10 : memref<16xi32, #tpu.memory_space<vmem>>) target_semaphore(%run_scoped3A : memref<!tpu.dma_semaphore, #tpu.memory_space<semaphore_mem>>)
        %dma_wait3A = arith.constant 0 : i32
        %dma_wait3A_834 = tpu.memref_slice %arg5[%add3A_759, %dma_wait3A] : memref<32x16xi32, #tpu.memory_space<hbm>> -> memref<1x16xi32, #tpu.memory_space<hbm>>
        %dma_wait3A_835 = tpu.memref_squeeze %dma_wait3A_834 : memref<1x16xi32, #tpu.memory_space<hbm>> -> memref<16xi32, #tpu.memory_space<hbm>>
        %dma_wait3A_836 = arith.constant 0 : i32
        %dma_wait3A_837 = tpu.memref_slice %arg5[%add3A_759, %dma_wait3A_836] : memref<32x16xi32, #tpu.memory_space<hbm>> -> memref<1x16xi32, #tpu.memory_space<hbm>>
        %dma_wait3A_838 = tpu.memref_squeeze %dma_wait3A_837 : memref<1x16xi32, #tpu.memory_space<hbm>> -> memref<16xi32, #tpu.memory_space<hbm>>
        tpu.wait_dma2 semaphore(%run_scoped3A : memref<!tpu.dma_semaphore, #tpu.memory_space<semaphore_mem>>) src(%dma_wait3A_838 : memref<16xi32, #tpu.memory_space<hbm>>) dst(%arg10 : memref<16xi32, #tpu.memory_space<vmem>>)
        tpu.yield
      }) : () -> ()
      %get3A_760 = arith.constant 0 : index
      %get3A_761 = tpu.vector_load %arg9[%get3A_760] {strides = array<i32>} : memref<16xf32, #tpu.memory_space<vmem>>, vector<16xf32>,
      %get3A_762 = vector.shape_cast %get3A_761 : vector<16xf32> to vector<16xf32>
      %get3A_763 = arith.constant 0 : index
      %get3A_764 = tpu.vector_load %arg10[%get3A_763] {strides = array<i32>} : memref<16xi32, #tpu.memory_space<vmem>>, vector<16xi32>,
      %get3A_765 = vector.shape_cast %get3A_764 : vector<16xi32> to vector<16xi32>
      %lt3A_766 = arith.cmpf olt, %get3A_762, %select_n3A_754 : vector<16xf32>
      %eq3A_767 = arith.cmpf oeq, %get3A_762, %select_n3A_754 : vector<16xf32>
      %lt3A_768 = arith.cmpi slt, %get3A_765, %select_n3A_755 : vector<16xi32>
      %and3A_769 = arith.andi %eq3A_767, %lt3A_768 : vector<16xi1>
      %or3A_770 = arith.ori %lt3A_766, %and3A_769 : vector<16xi1>
      %select_n3A_771 = arith.select %or3A_770, %get3A_762, %select_n3A_754 : vector<16xi1>, vector<16xf32>
      %select_n3A_772 = arith.select %or3A_770, %get3A_765, %select_n3A_755 : vector<16xi1>, vector<16xi32>
      %add3A_773 = arith.constant 5 : i32
      %add3A_774 = arith.addi %add3A_695, %add3A_773 : i32
      "tpu.region"() ({
        %run_scoped3A = tpu.sem_alloc : memref<!tpu.dma_semaphore, #tpu.memory_space<semaphore_mem>>
        %dma_start3A_828 = arith.constant 0 : i32
        %dma_start3A_829 = tpu.memref_slice %arg4[%add3A_774, %dma_start3A_828] : memref<32x16xf32, #tpu.memory_space<hbm>> -> memref<1x16xf32, #tpu.memory_space<hbm>>
        %dma_start3A_830 = tpu.memref_squeeze %dma_start3A_829 : memref<1x16xf32, #tpu.memory_space<hbm>> -> memref<16xf32, #tpu.memory_space<hbm>>
        %dma_start3A_831 = arith.constant 0 : i32
        %dma_start3A_832 = tpu.memref_slice %arg4[%add3A_774, %dma_start3A_831] : memref<32x16xf32, #tpu.memory_space<hbm>> -> memref<1x16xf32, #tpu.memory_space<hbm>>
        %dma_start3A_833 = tpu.memref_squeeze %dma_start3A_832 : memref<1x16xf32, #tpu.memory_space<hbm>> -> memref<16xf32, #tpu.memory_space<hbm>>
        tpu.enqueue_dma source(%dma_start3A_833 : memref<16xf32, #tpu.memory_space<hbm>>) target(%arg9 : memref<16xf32, #tpu.memory_space<vmem>>) target_semaphore(%run_scoped3A : memref<!tpu.dma_semaphore, #tpu.memory_space<semaphore_mem>>)
        %dma_wait3A = arith.constant 0 : i32
        %dma_wait3A_834 = tpu.memref_slice %arg4[%add3A_774, %dma_wait3A] : memref<32x16xf32, #tpu.memory_space<hbm>> -> memref<1x16xf32, #tpu.memory_space<hbm>>
        %dma_wait3A_835 = tpu.memref_squeeze %dma_wait3A_834 : memref<1x16xf32, #tpu.memory_space<hbm>> -> memref<16xf32, #tpu.memory_space<hbm>>
        %dma_wait3A_836 = arith.constant 0 : i32
        %dma_wait3A_837 = tpu.memref_slice %arg4[%add3A_774, %dma_wait3A_836] : memref<32x16xf32, #tpu.memory_space<hbm>> -> memref<1x16xf32, #tpu.memory_space<hbm>>
        %dma_wait3A_838 = tpu.memref_squeeze %dma_wait3A_837 : memref<1x16xf32, #tpu.memory_space<hbm>> -> memref<16xf32, #tpu.memory_space<hbm>>
        tpu.wait_dma2 semaphore(%run_scoped3A : memref<!tpu.dma_semaphore, #tpu.memory_space<semaphore_mem>>) src(%dma_wait3A_838 : memref<16xf32, #tpu.memory_space<hbm>>) dst(%arg9 : memref<16xf32, #tpu.memory_space<vmem>>)
        tpu.yield
      }) : () -> ()
      %add3A_775 = arith.constant 5 : i32
      %add3A_776 = arith.addi %add3A_695, %add3A_775 : i32
      "tpu.region"() ({
        %run_scoped3A = tpu.sem_alloc : memref<!tpu.dma_semaphore, #tpu.memory_space<semaphore_mem>>
        %dma_start3A_828 = arith.constant 0 : i32
        %dma_start3A_829 = tpu.memref_slice %arg5[%add3A_776, %dma_start3A_828] : memref<32x16xi32, #tpu.memory_space<hbm>> -> memref<1x16xi32, #tpu.memory_space<hbm>>
        %dma_start3A_830 = tpu.memref_squeeze %dma_start3A_829 : memref<1x16xi32, #tpu.memory_space<hbm>> -> memref<16xi32, #tpu.memory_space<hbm>>
        %dma_start3A_831 = arith.constant 0 : i32
        %dma_start3A_832 = tpu.memref_slice %arg5[%add3A_776, %dma_start3A_831] : memref<32x16xi32, #tpu.memory_space<hbm>> -> memref<1x16xi32, #tpu.memory_space<hbm>>
        %dma_start3A_833 = tpu.memref_squeeze %dma_start3A_832 : memref<1x16xi32, #tpu.memory_space<hbm>> -> memref<16xi32, #tpu.memory_space<hbm>>
        tpu.enqueue_dma source(%dma_start3A_833 : memref<16xi32, #tpu.memory_space<hbm>>) target(%arg10 : memref<16xi32, #tpu.memory_space<vmem>>) target_semaphore(%run_scoped3A : memref<!tpu.dma_semaphore, #tpu.memory_space<semaphore_mem>>)
        %dma_wait3A = arith.constant 0 : i32
        %dma_wait3A_834 = tpu.memref_slice %arg5[%add3A_776, %dma_wait3A] : memref<32x16xi32, #tpu.memory_space<hbm>> -> memref<1x16xi32, #tpu.memory_space<hbm>>
        %dma_wait3A_835 = tpu.memref_squeeze %dma_wait3A_834 : memref<1x16xi32, #tpu.memory_space<hbm>> -> memref<16xi32, #tpu.memory_space<hbm>>
        %dma_wait3A_836 = arith.constant 0 : i32
        %dma_wait3A_837 = tpu.memref_slice %arg5[%add3A_776, %dma_wait3A_836] : memref<32x16xi32, #tpu.memory_space<hbm>> -> memref<1x16xi32, #tpu.memory_space<hbm>>
        %dma_wait3A_838 = tpu.memref_squeeze %dma_wait3A_837 : memref<1x16xi32, #tpu.memory_space<hbm>> -> memref<16xi32, #tpu.memory_space<hbm>>
        tpu.wait_dma2 semaphore(%run_scoped3A : memref<!tpu.dma_semaphore, #tpu.memory_space<semaphore_mem>>) src(%dma_wait3A_838 : memref<16xi32, #tpu.memory_space<hbm>>) dst(%arg10 : memref<16xi32, #tpu.memory_space<vmem>>)
        tpu.yield
      }) : () -> ()
      %get3A_777 = arith.constant 0 : index
      %get3A_778 = tpu.vector_load %arg9[%get3A_777] {strides = array<i32>} : memref<16xf32, #tpu.memory_space<vmem>>, vector<16xf32>,
      %get3A_779 = vector.shape_cast %get3A_778 : vector<16xf32> to vector<16xf32>
      %get3A_780 = arith.constant 0 : index
      %get3A_781 = tpu.vector_load %arg10[%get3A_780] {strides = array<i32>} : memref<16xi32, #tpu.memory_space<vmem>>, vector<16xi32>,
      %get3A_782 = vector.shape_cast %get3A_781 : vector<16xi32> to vector<16xi32>
      %lt3A_783 = arith.cmpf olt, %get3A_779, %select_n3A_771 : vector<16xf32>
      %eq3A_784 = arith.cmpf oeq, %get3A_779, %select_n3A_771 : vector<16xf32>
      %lt3A_785 = arith.cmpi slt, %get3A_782, %select_n3A_772 : vector<16xi32>
      %and3A_786 = arith.andi %eq3A_784, %lt3A_785 : vector<16xi1>
      %or3A_787 = arith.ori %lt3A_783, %and3A_786 : vector<16xi1>
      %select_n3A_788 = arith.select %or3A_787, %get3A_779, %select_n3A_771 : vector<16xi1>, vector<16xf32>
      %select_n3A_789 = arith.select %or3A_787, %get3A_782, %select_n3A_772 : vector<16xi1>, vector<16xi32>
      %add3A_790 = arith.constant 6 : i32
      %add3A_791 = arith.addi %add3A_695, %add3A_790 : i32
      "tpu.region"() ({
        %run_scoped3A = tpu.sem_alloc : memref<!tpu.dma_semaphore, #tpu.memory_space<semaphore_mem>>
        %dma_start3A_828 = arith.constant 0 : i32
        %dma_start3A_829 = tpu.memref_slice %arg4[%add3A_791, %dma_start3A_828] : memref<32x16xf32, #tpu.memory_space<hbm>> -> memref<1x16xf32, #tpu.memory_space<hbm>>
        %dma_start3A_830 = tpu.memref_squeeze %dma_start3A_829 : memref<1x16xf32, #tpu.memory_space<hbm>> -> memref<16xf32, #tpu.memory_space<hbm>>
        %dma_start3A_831 = arith.constant 0 : i32
        %dma_start3A_832 = tpu.memref_slice %arg4[%add3A_791, %dma_start3A_831] : memref<32x16xf32, #tpu.memory_space<hbm>> -> memref<1x16xf32, #tpu.memory_space<hbm>>
        %dma_start3A_833 = tpu.memref_squeeze %dma_start3A_832 : memref<1x16xf32, #tpu.memory_space<hbm>> -> memref<16xf32, #tpu.memory_space<hbm>>
        tpu.enqueue_dma source(%dma_start3A_833 : memref<16xf32, #tpu.memory_space<hbm>>) target(%arg9 : memref<16xf32, #tpu.memory_space<vmem>>) target_semaphore(%run_scoped3A : memref<!tpu.dma_semaphore, #tpu.memory_space<semaphore_mem>>)
        %dma_wait3A = arith.constant 0 : i32
        %dma_wait3A_834 = tpu.memref_slice %arg4[%add3A_791, %dma_wait3A] : memref<32x16xf32, #tpu.memory_space<hbm>> -> memref<1x16xf32, #tpu.memory_space<hbm>>
        %dma_wait3A_835 = tpu.memref_squeeze %dma_wait3A_834 : memref<1x16xf32, #tpu.memory_space<hbm>> -> memref<16xf32, #tpu.memory_space<hbm>>
        %dma_wait3A_836 = arith.constant 0 : i32
        %dma_wait3A_837 = tpu.memref_slice %arg4[%add3A_791, %dma_wait3A_836] : memref<32x16xf32, #tpu.memory_space<hbm>> -> memref<1x16xf32, #tpu.memory_space<hbm>>
        %dma_wait3A_838 = tpu.memref_squeeze %dma_wait3A_837 : memref<1x16xf32, #tpu.memory_space<hbm>> -> memref<16xf32, #tpu.memory_space<hbm>>
        tpu.wait_dma2 semaphore(%run_scoped3A : memref<!tpu.dma_semaphore, #tpu.memory_space<semaphore_mem>>) src(%dma_wait3A_838 : memref<16xf32, #tpu.memory_space<hbm>>) dst(%arg9 : memref<16xf32, #tpu.memory_space<vmem>>)
        tpu.yield
      }) : () -> ()
      %add3A_792 = arith.constant 6 : i32
      %add3A_793 = arith.addi %add3A_695, %add3A_792 : i32
      "tpu.region"() ({
        %run_scoped3A = tpu.sem_alloc : memref<!tpu.dma_semaphore, #tpu.memory_space<semaphore_mem>>
        %dma_start3A_828 = arith.constant 0 : i32
        %dma_start3A_829 = tpu.memref_slice %arg5[%add3A_793, %dma_start3A_828] : memref<32x16xi32, #tpu.memory_space<hbm>> -> memref<1x16xi32, #tpu.memory_space<hbm>>
        %dma_start3A_830 = tpu.memref_squeeze %dma_start3A_829 : memref<1x16xi32, #tpu.memory_space<hbm>> -> memref<16xi32, #tpu.memory_space<hbm>>
        %dma_start3A_831 = arith.constant 0 : i32
        %dma_start3A_832 = tpu.memref_slice %arg5[%add3A_793, %dma_start3A_831] : memref<32x16xi32, #tpu.memory_space<hbm>> -> memref<1x16xi32, #tpu.memory_space<hbm>>
        %dma_start3A_833 = tpu.memref_squeeze %dma_start3A_832 : memref<1x16xi32, #tpu.memory_space<hbm>> -> memref<16xi32, #tpu.memory_space<hbm>>
        tpu.enqueue_dma source(%dma_start3A_833 : memref<16xi32, #tpu.memory_space<hbm>>) target(%arg10 : memref<16xi32, #tpu.memory_space<vmem>>) target_semaphore(%run_scoped3A : memref<!tpu.dma_semaphore, #tpu.memory_space<semaphore_mem>>)
        %dma_wait3A = arith.constant 0 : i32
        %dma_wait3A_834 = tpu.memref_slice %arg5[%add3A_793, %dma_wait3A] : memref<32x16xi32, #tpu.memory_space<hbm>> -> memref<1x16xi32, #tpu.memory_space<hbm>>
        %dma_wait3A_835 = tpu.memref_squeeze %dma_wait3A_834 : memref<1x16xi32, #tpu.memory_space<hbm>> -> memref<16xi32, #tpu.memory_space<hbm>>
        %dma_wait3A_836 = arith.constant 0 : i32
        %dma_wait3A_837 = tpu.memref_slice %arg5[%add3A_793, %dma_wait3A_836] : memref<32x16xi32, #tpu.memory_space<hbm>> -> memref<1x16xi32, #tpu.memory_space<hbm>>
        %dma_wait3A_838 = tpu.memref_squeeze %dma_wait3A_837 : memref<1x16xi32, #tpu.memory_space<hbm>> -> memref<16xi32, #tpu.memory_space<hbm>>
        tpu.wait_dma2 semaphore(%run_scoped3A : memref<!tpu.dma_semaphore, #tpu.memory_space<semaphore_mem>>) src(%dma_wait3A_838 : memref<16xi32, #tpu.memory_space<hbm>>) dst(%arg10 : memref<16xi32, #tpu.memory_space<vmem>>)
        tpu.yield
      }) : () -> ()
      %get3A_794 = arith.constant 0 : index
      %get3A_795 = tpu.vector_load %arg9[%get3A_794] {strides = array<i32>} : memref<16xf32, #tpu.memory_space<vmem>>, vector<16xf32>,
      %get3A_796 = vector.shape_cast %get3A_795 : vector<16xf32> to vector<16xf32>
      %get3A_797 = arith.constant 0 : index
      %get3A_798 = tpu.vector_load %arg10[%get3A_797] {strides = array<i32>} : memref<16xi32, #tpu.memory_space<vmem>>, vector<16xi32>,
      %get3A_799 = vector.shape_cast %get3A_798 : vector<16xi32> to vector<16xi32>
      %lt3A_800 = arith.cmpf olt, %get3A_796, %select_n3A_788 : vector<16xf32>
      %eq3A_801 = arith.cmpf oeq, %get3A_796, %select_n3A_788 : vector<16xf32>
      %lt3A_802 = arith.cmpi slt, %get3A_799, %select_n3A_789 : vector<16xi32>
      %and3A_803 = arith.andi %eq3A_801, %lt3A_802 : vector<16xi1>
      %or3A_804 = arith.ori %lt3A_800, %and3A_803 : vector<16xi1>
      %select_n3A_805 = arith.select %or3A_804, %get3A_796, %select_n3A_788 : vector<16xi1>, vector<16xf32>
      %select_n3A_806 = arith.select %or3A_804, %get3A_799, %select_n3A_789 : vector<16xi1>, vector<16xi32>
      %add3A_807 = arith.constant 7 : i32
      %add3A_808 = arith.addi %add3A_695, %add3A_807 : i32
      "tpu.region"() ({
        %run_scoped3A = tpu.sem_alloc : memref<!tpu.dma_semaphore, #tpu.memory_space<semaphore_mem>>
        %dma_start3A_828 = arith.constant 0 : i32
        %dma_start3A_829 = tpu.memref_slice %arg4[%add3A_808, %dma_start3A_828] : memref<32x16xf32, #tpu.memory_space<hbm>> -> memref<1x16xf32, #tpu.memory_space<hbm>>
        %dma_start3A_830 = tpu.memref_squeeze %dma_start3A_829 : memref<1x16xf32, #tpu.memory_space<hbm>> -> memref<16xf32, #tpu.memory_space<hbm>>
        %dma_start3A_831 = arith.constant 0 : i32
        %dma_start3A_832 = tpu.memref_slice %arg4[%add3A_808, %dma_start3A_831] : memref<32x16xf32, #tpu.memory_space<hbm>> -> memref<1x16xf32, #tpu.memory_space<hbm>>
        %dma_start3A_833 = tpu.memref_squeeze %dma_start3A_832 : memref<1x16xf32, #tpu.memory_space<hbm>> -> memref<16xf32, #tpu.memory_space<hbm>>
        tpu.enqueue_dma source(%dma_start3A_833 : memref<16xf32, #tpu.memory_space<hbm>>) target(%arg9 : memref<16xf32, #tpu.memory_space<vmem>>) target_semaphore(%run_scoped3A : memref<!tpu.dma_semaphore, #tpu.memory_space<semaphore_mem>>)
        %dma_wait3A = arith.constant 0 : i32
        %dma_wait3A_834 = tpu.memref_slice %arg4[%add3A_808, %dma_wait3A] : memref<32x16xf32, #tpu.memory_space<hbm>> -> memref<1x16xf32, #tpu.memory_space<hbm>>
        %dma_wait3A_835 = tpu.memref_squeeze %dma_wait3A_834 : memref<1x16xf32, #tpu.memory_space<hbm>> -> memref<16xf32, #tpu.memory_space<hbm>>
        %dma_wait3A_836 = arith.constant 0 : i32
        %dma_wait3A_837 = tpu.memref_slice %arg4[%add3A_808, %dma_wait3A_836] : memref<32x16xf32, #tpu.memory_space<hbm>> -> memref<1x16xf32, #tpu.memory_space<hbm>>
        %dma_wait3A_838 = tpu.memref_squeeze %dma_wait3A_837 : memref<1x16xf32, #tpu.memory_space<hbm>> -> memref<16xf32, #tpu.memory_space<hbm>>
        tpu.wait_dma2 semaphore(%run_scoped3A : memref<!tpu.dma_semaphore, #tpu.memory_space<semaphore_mem>>) src(%dma_wait3A_838 : memref<16xf32, #tpu.memory_space<hbm>>) dst(%arg9 : memref<16xf32, #tpu.memory_space<vmem>>)
        tpu.yield
      }) : () -> ()
      %add3A_809 = arith.constant 7 : i32
      %add3A_810 = arith.addi %add3A_695, %add3A_809 : i32
      "tpu.region"() ({
        %run_scoped3A = tpu.sem_alloc : memref<!tpu.dma_semaphore, #tpu.memory_space<semaphore_mem>>
        %dma_start3A_828 = arith.constant 0 : i32
        %dma_start3A_829 = tpu.memref_slice %arg5[%add3A_810, %dma_start3A_828] : memref<32x16xi32, #tpu.memory_space<hbm>> -> memref<1x16xi32, #tpu.memory_space<hbm>>
        %dma_start3A_830 = tpu.memref_squeeze %dma_start3A_829 : memref<1x16xi32, #tpu.memory_space<hbm>> -> memref<16xi32, #tpu.memory_space<hbm>>
        %dma_start3A_831 = arith.constant 0 : i32
        %dma_start3A_832 = tpu.memref_slice %arg5[%add3A_810, %dma_start3A_831] : memref<32x16xi32, #tpu.memory_space<hbm>> -> memref<1x16xi32, #tpu.memory_space<hbm>>
        %dma_start3A_833 = tpu.memref_squeeze %dma_start3A_832 : memref<1x16xi32, #tpu.memory_space<hbm>> -> memref<16xi32, #tpu.memory_space<hbm>>
        tpu.enqueue_dma source(%dma_start3A_833 : memref<16xi32, #tpu.memory_space<hbm>>) target(%arg10 : memref<16xi32, #tpu.memory_space<vmem>>) target_semaphore(%run_scoped3A : memref<!tpu.dma_semaphore, #tpu.memory_space<semaphore_mem>>)
        %dma_wait3A = arith.constant 0 : i32
        %dma_wait3A_834 = tpu.memref_slice %arg5[%add3A_810, %dma_wait3A] : memref<32x16xi32, #tpu.memory_space<hbm>> -> memref<1x16xi32, #tpu.memory_space<hbm>>
        %dma_wait3A_835 = tpu.memref_squeeze %dma_wait3A_834 : memref<1x16xi32, #tpu.memory_space<hbm>> -> memref<16xi32, #tpu.memory_space<hbm>>
        %dma_wait3A_836 = arith.constant 0 : i32
        %dma_wait3A_837 = tpu.memref_slice %arg5[%add3A_810, %dma_wait3A_836] : memref<32x16xi32, #tpu.memory_space<hbm>> -> memref<1x16xi32, #tpu.memory_space<hbm>>
        %dma_wait3A_838 = tpu.memref_squeeze %dma_wait3A_837 : memref<1x16xi32, #tpu.memory_space<hbm>> -> memref<16xi32, #tpu.memory_space<hbm>>
        tpu.wait_dma2 semaphore(%run_scoped3A : memref<!tpu.dma_semaphore, #tpu.memory_space<semaphore_mem>>) src(%dma_wait3A_838 : memref<16xi32, #tpu.memory_space<hbm>>) dst(%arg10 : memref<16xi32, #tpu.memory_space<vmem>>)
        tpu.yield
      }) : () -> ()
      %get3A_811 = arith.constant 0 : index
      %get3A_812 = tpu.vector_load %arg9[%get3A_811] {strides = array<i32>} : memref<16xf32, #tpu.memory_space<vmem>>, vector<16xf32>,
      %get3A_813 = vector.shape_cast %get3A_812 : vector<16xf32> to vector<16xf32>
      %get3A_814 = arith.constant 0 : index
      %get3A_815 = tpu.vector_load %arg10[%get3A_814] {strides = array<i32>} : memref<16xi32, #tpu.memory_space<vmem>>, vector<16xi32>,
      %get3A_816 = vector.shape_cast %get3A_815 : vector<16xi32> to vector<16xi32>
      %lt3A_817 = arith.cmpf olt, %get3A_813, %select_n3A_805 : vector<16xf32>
      %eq3A_818 = arith.cmpf oeq, %get3A_813, %select_n3A_805 : vector<16xf32>
      %lt3A_819 = arith.cmpi slt, %get3A_816, %select_n3A_806 : vector<16xi32>
      %and3A_820 = arith.andi %eq3A_818, %lt3A_819 : vector<16xi1>
      %or3A_821 = arith.ori %lt3A_817, %and3A_820 : vector<16xi1>
      %select_n3A_822 = arith.select %or3A_821, %get3A_813, %select_n3A_805 : vector<16xi1>, vector<16xf32>
      %select_n3A_823 = arith.select %or3A_821, %get3A_816, %select_n3A_806 : vector<16xi1>, vector<16xi32>
      %swap3A_824 = arith.constant 0 : index
      %swap3A_825 = tpu.vector_load %arg8[%swap3A_824] {strides = array<i32>} : memref<16xi32, #tpu.memory_space<vmem>>, vector<16xi32>,
      %swap3A_826 = vector.shape_cast %swap3A_825 : vector<16xi32> to vector<16xi32>
      %swap3A_827 = vector.shape_cast %select_n3A_823 : vector<16xi32> to vector<16xi32>
      tpu.vector_store %arg8[%swap3A_824], %swap3A_827 {strides = array<i32>} : memref<16xi32, #tpu.memory_space<vmem>>, vector<16xi32>,
      "tpu.region"() ({
        %run_scoped3A = tpu.sem_alloc : memref<!tpu.dma_semaphore, #tpu.memory_space<semaphore_mem>>
        %dma_start3A_828 = arith.constant 0 : i32
        %dma_start3A_829 = tpu.memref_slice %arg8[%dma_start3A_828] : memref<16xi32, #tpu.memory_space<vmem>> -> memref<8xi32, #tpu.memory_space<vmem>>
        %dma_start3A_830 = tpu.memref_slice %arg3[%mul3A_32] : memref<32xi32, #tpu.memory_space<hbm>> -> memref<8xi32, #tpu.memory_space<hbm>>
        %dma_start3A_831 = tpu.memref_slice %arg3[%mul3A_32] : memref<32xi32, #tpu.memory_space<hbm>> -> memref<8xi32, #tpu.memory_space<hbm>>
        %dma_start3A_832 = arith.constant 0 : i32
        %dma_start3A_833 = tpu.memref_slice %arg8[%dma_start3A_832] : memref<16xi32, #tpu.memory_space<vmem>> -> memref<8xi32, #tpu.memory_space<vmem>>
        tpu.enqueue_dma source(%dma_start3A_833 : memref<8xi32, #tpu.memory_space<vmem>>) target(%dma_start3A_831 : memref<8xi32, #tpu.memory_space<hbm>>) target_semaphore(%run_scoped3A : memref<!tpu.dma_semaphore, #tpu.memory_space<semaphore_mem>>)
        %dma_wait3A = arith.constant 0 : i32
        %dma_wait3A_834 = tpu.memref_slice %arg8[%dma_wait3A] : memref<16xi32, #tpu.memory_space<vmem>> -> memref<8xi32, #tpu.memory_space<vmem>>
        %dma_wait3A_835 = tpu.memref_slice %arg3[%mul3A_32] : memref<32xi32, #tpu.memory_space<hbm>> -> memref<8xi32, #tpu.memory_space<hbm>>
        %dma_wait3A_836 = tpu.memref_slice %arg3[%mul3A_32] : memref<32xi32, #tpu.memory_space<hbm>> -> memref<8xi32, #tpu.memory_space<hbm>>
        %dma_wait3A_837 = arith.constant 0 : i32
        %dma_wait3A_838 = tpu.memref_slice %arg8[%dma_wait3A_837] : memref<16xi32, #tpu.memory_space<vmem>> -> memref<8xi32, #tpu.memory_space<vmem>>
        tpu.wait_dma2 semaphore(%run_scoped3A : memref<!tpu.dma_semaphore, #tpu.memory_space<semaphore_mem>>) src(%dma_wait3A_838 : memref<8xi32, #tpu.memory_space<vmem>>) dst(%dma_wait3A_836 : memref<8xi32, #tpu.memory_space<hbm>>)
        tpu.yield
      }) : () -> ()
    } else {
    }
    return
  }
}

module attributes {stable_mosaic.version = 14 : i64} {
  func.func @_tc_body(%arg0: i32, %arg1: memref<8x32768xf32, #tpu.memory_space<vmem>>, %arg2: memref<1x1x8xi32, #tpu.memory_space<vmem>>) attributes {dimension_semantics = [#tpu.dimension_semantics<arbitrary>], iteration_bounds = array<i64: 12>, scalar_prefetch = 0 : i64, scratch_operands = 0 : i64, tpu.core_type = #tpu.core_type<tc>, window_params = [{transform_indices = @transform_0, window_bounds = array<i64: 8, 32768>}, {transform_indices = @transform_1, window_bounds = array<i64: 1, 1, 8>}]} {
    %get3A = arith.constant 0 : index
    %get3A_0 = arith.constant 0 : index
    %get3A_1 = vector.load %arg1[%get3A, %get3A_0] : memref<8x32768xf32, #tpu.memory_space<vmem>>, vector<8x32768xf32>
    %reduce_min3A = arith.constant dense<0x7F800000> : vector<8xf32>
    %reduce_min3A_2 = vector.multi_reduction <minimumf>, %get3A_1, %reduce_min3A [1] : vector<8x32768xf32> to vector<8xf32>
    %broadcast_in_dim3A = vector.shape_cast %reduce_min3A_2 : vector<8xf32> to vector<8x1xf32>
    %iota3A = tpu.iota {dimensions = array<i32: 1>} : vector<8x32768xi32>
    %broadcast_in_dim3A_3 = arith.constant 2147483647 : i32
    %broadcast_in_dim3A_4 = vector.broadcast %broadcast_in_dim3A_3 : i32 to vector<8x32768xi32>
    %eq3A = vector.broadcast %broadcast_in_dim3A : vector<8x1xf32> to vector<8x32768xf32>
    %eq3A_5 = arith.cmpf oeq, %get3A_1, %eq3A : vector<8x32768xf32>
    %select_n3A = arith.select %eq3A_5, %iota3A, %broadcast_in_dim3A_4 : vector<8x32768xi1>, vector<8x32768xi32>
    %reduce_min3A_6 = arith.constant dense<2147483647> : vector<8xi32>
    %reduce_min3A_7 = vector.multi_reduction <minsi>, %select_n3A, %reduce_min3A_6 [1] : vector<8x32768xi32> to vector<8xi32>
    %broadcast_in_dim3A_8 = vector.shape_cast %reduce_min3A_7 : vector<8xi32> to vector<1x1x8xi32>
    %swap3A = arith.constant 0 : index
    %swap3A_9 = arith.constant 0 : index
    %swap3A_10 = arith.constant 0 : index
    %swap3A_11 = vector.load %arg2[%swap3A, %swap3A_9, %swap3A_10] : memref<1x1x8xi32, #tpu.memory_space<vmem>>, vector<1x1x8xi32>
    tpu.vector_store %arg2[%swap3A, %swap3A_9, %swap3A_10], %broadcast_in_dim3A_8 {strides = array<i32>} : memref<1x1x8xi32, #tpu.memory_space<vmem>>, vector<1x1x8xi32>,
    return
  }
  func.func @transform_0(%arg0: i32) -> (i32, i32) {
    %add3A = arith.constant 4 : i32
    %add3A_0 = arith.addi %arg0, %add3A : i32
    %c0_i32 = arith.constant 0 : i32
    %c0_i32_1 = arith.constant 0 : i32
    return %add3A_0, %c0_i32 : i32, i32
  }
  func.func @transform_1(%arg0: i32) -> (i32, i32, i32) {
    %c0_i32 = arith.constant 0 : i32
    %c0_i32_0 = arith.constant 0 : i32
    %c0_i32_1 = arith.constant 0 : i32
    return %arg0, %c0_i32, %c0_i32_0 : i32, i32, i32
  }
}

</mosaic_0001>

<sc_bundles>
// kernel: kernel.4.cloned.1.call-start
scs
__scs_entry_jumppad:
0x0: {  	(pc) =	sbr.rel $0x88, $3  }
0x1: {  	(tag) =	ssettag $0x0;
	lr =	simm.s32 $0x1  }
0x2: {  	[smem:$0x3FA0] =	sst lr;
	_ =	strace $0xD0000000  }
0x3: {  	_ = 	snop  }
0x4: {  	_ = 	snop  }
0x5: {  	_ = 	snop  }
0x6: {  	_ = 	snop  }
0x7: {  	_ = 	snop  }
__scs_overlays_trampoline_lowered:
0x8: {  	[smem:$0x3FAF] =	sst s0  }
0x9: {  	[smem:$0x3FB0] =	sst s1  }
0xa: {  	[smem:$0x3FB1] =	sst s2  }
0xb: {  	[smem:$0x3FB2] =	sst s3  }
0xc: {  	[smem:$0x3FB3] =	sst s4  }
0xd: {  	[smem:$0x3FB4] =	sst s5  }
0xe: {  	[smem:$0x3FB5] =	sst s6  }
0xf: {  	[smem:$0x3FB6] =	sst s7  }
0x10: {  	[smem:$0x3FB7] =	sst s8  }
0x11: {  	[smem:$0x3FB8] =	sst s9;
	s0 =	simm.s32 @!p0 $0x0  }
0x12: {  	s1 =	sld [smem:$0x3F9E];
	s0 =	simm.s32 @p0 $0x1  }
0x13: {  	[smem:$0x3FB9] =	sst s0;
	s0 =	simm.s32 @!p1 $0x0  }
0x14: {  	s2 =	sld [smem:$0x3F9D];
	s0 =	simm.s32 @p1 $0x1  }
0x15: {  	[smem:$0x3FBA] =	sst s0;
	s0 =	simm.s32 @!p2 $0x0  }
0x16: {  	s3 =	sld [smem:$0x3FDB];
	s0 =	simm.s32 @p2 $0x1  }
0x17: {  	s4 =	simm.s32 $0x1BF5;
	[smem:$0x3FBC] =	sst s0  }
0x18: {  	s0 =	sld [smem:$0x3F9F];
	_ =	swait.ge [sflag:s4], $0x0  }
0x19: {  	s7 =	sld [smem:$0x3FA0]  }
0x1a: {  	s8 =	sadd.s32 $0xFFFFE003, lr  }
0x1b: {  	s9 =	sadd.s32 $0xFFFFFEF7, lr;
	s5 =	simm.s32 $0xFFFFFFFF;
	p2 =	slt.u32 s8, $0xFFFFF086  }
0x1c: {  	p1 =	slt.u32 s9, $0xF7A;
	s5 =	simm.s32 @!p2 $0x0  }
0x1d: {  	s5 =	simm.s32 @p1 $0x1;
	p0 =	seq.s32 s7, s2  }
0x1e: {  	s7 =	smul.u32 @!p0 $0xF7A, s2;
	p2 =	seq.s32 @!p0 s5, $0x0  }
0x1f: {  	s9 =	smul.u32 $0xF7A, s1;
	s8 =	simm.s32 @!p0 $0x1BF5;
	p2 =	por !p2, p0  }
0x20: {  	[sflag:s8] =	ssyncset.s32 @!p0 $0xFFFFF086;
	s6 =	sadd.s32 @!p0 s3, s7;
	s7 =	simm.s32 @!p0 $0x108  }
0x21: {  	s3 =	sadd.s32 s3, s9;
	s6 =	sadd.s32 @!p0 $0x88, s6;
	s7 =	simm.s32 @p2 $0x1082  }
0x22: {  	[simem:s7], [sflag:s8] =	dma.local @!p0 [hbm:s6], $0xF7A  }
0x23: {  	s9 =	sor.u32 $0xD0000000, s2;
	s6 =	simm.s32 $0x108;
	_ =	swait.ge @!p0 [sflag:s8], $0x0  }
0x24: {  	s3 =	sadd.s32 $0x88, s3;
	s6 =	simm.s32 @!p1 $0x1082;
	[sflag:s4] =	ssyncset.s32 $0xFFFFF086  }
0x25: {  	[simem:s6], [sflag:s4] =	dma.local [hbm:s3], $0xF7A  }
0x26: {  	[smem:$0x3FA0] =	sst s1;
	(tag) =	ssettag s2;
	_ =	strace s9  }
0x27: {  	s1 =	sld [smem:$0x3FB0]  }
0x28: {  	s2 =	sld [smem:$0x3FB1]  }
0x29: {  	s4 =	sld [smem:$0x3FB3]  }
0x2a: {  	p0 =	seq.s32 s5, $0x0;
	s5 =	sld [smem:$0x3FB4]  }
0x2b: {  	s6 =	sld [smem:$0x3FB5]  }
0x2c: {  	s7 =	sld [smem:$0x3FB6]  }
0x2d: {  	s3 =	simm.s32 $0x108;
	s8 =	sld [smem:$0x3FB7]  }
0x2e: {  	s3 =	simm.s32 @!p0 $0x1082;
	s9 =	sld [smem:$0x3FB8]  }
0x2f: {  	lr =	sadd.s32 s0, s3;
	s0 =	sld [smem:$0x3FAF]  }
0x30: {  	s3 =	sld [smem:$0x3FB2]  }
0x31: {  	[smem:$0x3FBB] =	sst s10  }
0x32: {  	s10 =	sld [smem:$0x3FB9];
	_ =	sdelay $0x3  }
0x33: {  	p0 =	seq.s32 s10, $0x1;
	s10 =	sld [smem:$0x3FBB];
	_ =	sdelay $0x3  }
0x34: {  	[smem:$0x3FBB] =	sst s10  }
0x35: {  	s10 =	sld [smem:$0x3FBA];
	_ =	sdelay $0x3  }
0x36: {  	p1 =	seq.s32 s10, $0x1;
	s10 =	sld [smem:$0x3FBB];
	_ =	sdelay $0x3  }
0x37: {  	[smem:$0x3FBB] =	sst s10  }
0x38: {  	s10 =	sld [smem:$0x3FBC]  }
0x39: {  	_ = 	snop;
	(pc) =	sbr.ind lr, $3  }
0x3a: {  	_ = 	snop  }
0x3b: {  	_ = 	snop  }
0x3c: {  	p2 =	seq.s32 s10, $0x1;
	s10 =	sld [smem:$0x3FBB]  }
0x3d: {  	_ =	shalt  }
0x3e: {  	_ =	shalt  }
0x3f: {  	_ =	shalt  }
0x40: {  	_ =	shalt  }
0x41: {  	_ =	shalt  }
0x42: {  	_ =	shalt  }
0x43: {  	_ =	shalt  }
0x44: {  	_ =	shalt  }
0x45: {  	_ =	shalt  }
0x46: {  	_ =	shalt  }
0x47: {  	_ =	shalt  }
0x48: {  	_ =	shalt  }
0x49: {  	_ =	shalt  }
0x4a: {  	_ =	shalt  }
0x4b: {  	_ =	shalt  }
0x4c: {  	_ =	shalt  }
0x4d: {  	_ =	shalt  }
0x4e: {  	_ =	shalt  }
0x4f: {  	_ =	shalt  }
0x50: {  	_ =	shalt  }
0x51: {  	_ =	shalt  }
0x52: {  	_ =	shalt  }
0x53: {  	_ =	shalt  }
0x54: {  	_ =	shalt  }
0x55: {  	_ =	shalt  }
0x56: {  	_ =	shalt  }
0x57: {  	_ =	shalt  }
0x58: {  	_ =	shalt  }
0x59: {  	_ =	shalt  }
0x5a: {  	_ =	shalt  }
0x5b: {  	_ =	shalt  }
0x5c: {  	_ =	shalt  }
0x5d: {  	_ =	shalt  }
0x5e: {  	_ =	shalt  }
0x5f: {  	_ =	shalt  }
0x60: {  	_ =	shalt  }
0x61: {  	_ =	shalt  }
0x62: {  	_ =	shalt  }
0x63: {  	_ =	shalt  }
0x64: {  	_ =	shalt  }
0x65: {  	_ =	shalt  }
0x66: {  	_ =	shalt  }
0x67: {  	_ =	shalt  }
0x68: {  	_ =	shalt  }
0x69: {  	_ =	shalt  }
0x6a: {  	_ =	shalt  }
0x6b: {  	_ =	shalt  }
0x6c: {  	_ =	shalt  }
0x6d: {  	_ =	shalt  }
0x6e: {  	_ =	shalt  }
0x6f: {  	_ =	shalt  }
0x70: {  	_ =	shalt  }
0x71: {  	_ =	shalt  }
0x72: {  	_ =	shalt  }
0x73: {  	_ =	shalt  }
0x74: {  	_ =	shalt  }
0x75: {  	_ =	shalt  }
0x76: {  	_ =	shalt  }
0x77: {  	_ =	shalt  }
0x78: {  	_ =	shalt  }
0x79: {  	_ =	shalt  }
0x7a: {  	_ =	shalt  }
0x7b: {  	_ =	shalt  }
0x7c: {  	_ =	shalt  }
0x7d: {  	_ =	shalt  }
0x7e: {  	_ =	shalt  }
0x7f: {  	_ =	shalt  }
0x80: {  	_ =	shalt  }
0x81: {  	_ =	shalt  }
0x82: {  	_ =	shalt  }
0x83: {  	_ =	shalt  }
0x84: {  	_ =	shalt  }
0x85: {  	_ =	shalt  }
0x86: {  	_ =	shalt  }
0x87: {  	_ =	shalt  }
.Lfunc_end0:
.L_simem_size_0:
called_computation_lowered:
.L_overlay_start_0:
0x88: {  	s2 =	sld [smem:$0x3FD9]  }
0x89: {  	s3 =	sld [smem:$0x3FFE];
	_ =	sdelay $0x1  }
0x8a: {  	s1 =	srdreg.scid  }
0x8b: {  	s0 =	sand.u32 $0x1, s1  }
0x8c: {  	s17 =	sshll.u32 s0, $0xA;
	s2 =	sadd.s32 s3, s2  }
0x8d: {  	s2 =	sadd.s32 s2, s17  }
0x8e: {  	[smem:$0x3FC7] =	sst s2  }
0x8f: {  	_ = 	snop  }
0x90: {  	s2 =	sld [smem:$0x3FC9];
	(tm) =	ssettm $0x1  }
0x91: {  	s18 =	sld [smem:$0x3FFB];
	_ =	sdelay $0x3  }
0x92: {  	_ =	strace s18  }
0x93: {  	s3 =	sld [smem:$0x3FFC];
	_ =	sdelay $0x3  }
0x94: {  	_ =	strace s3  }
0x95: {  	s3 =	sld [smem:$0x3FFD];
	_ =	sdelay $0x3  }
0x96: {  	_ =	strace s3  }
0x97: {  	_ =	strace $0x8FFFFFFF  }
0x98: {  	s19 =	sld [smem:$0x3FDB];
	_ =	sdelay $0x1  }
0x99: {  	s4 =	simm.s32 $_scs_section_size  }
0x9a: {  	s5 =	simm.s32 $_size__tile_overlayer_lowered;
	s6 =	simm.s32 $_tile_overlayer_lowered  }
0x9b: {  	s22 =	simm.s32 $0x1BFF;
	s21 =	sshll.u32 s6, $0x1;
	s3 =	sadd.s32 s4, s19  }
0x9c: {  	s7 =	simm.s32 $0x0;
	s20 =	sshll.u32 s5, $0x1;
	s5 =	sadd.s32 s21, s3  }
0x9d: {  	[timem:s7], [sflag:s22] =	dma.local [hbm:s5], s20  }
0x9e: {  	_ =	swait.ge [sflag:s22], s20  }
0x9f: {  	s4 =	ssub.s32 $0x0, s20;
	[sflag:s22] =	ssyncset.done $0x0  }
0xa0: {  	[sflag:s22] =	ssyncadd.s32 s4;
	_ =	sdelay $0x1  }
0xa1: {  	s23 =	simm.s32 $0x1B8B  }
0xa2: {  	_ =	swait.ge [sflag:s23], $0x1  }
0xa3: {  	[sflag:s23] =	ssyncset.done $0x0  }
0xa4: {  	s25 =	simm.s32 $0x1B8E;
	s24 =	sld [smem:$0x3FFE];
	[sflag:s23] =	ssyncadd.s32 $0xFFFFFFFF  }
0xa5: {  	s26 =	simm.s32 $execute0_lowered;
	[smem:$0x3FD2] =	sst s25  }
0xa6: {  	s5 =	sshll.u32 s26, $0x1;
	_ =	strace $0x80000046;
	[dreg:$0x1] =	wrdreg $0xFFFFFFFF  }
0xa7: {  	s28 =	simm.s32 $_size_execute0_lowered;
	s3 =	sadd.s32 s3, s5;
	[dreg:$0x0] =	wrdreg $0x0  }
0xa8: {  	s5 =	sshll.u32 s28, $0x1;
	[dreg:$0x2] =	wrdreg s3  }
0xa9: {  	[dreg:$0x3] =	wrdreg s5  }
0xaa: {  	[dreg:$0x4] =	wrdreg $0xC0  }
0xab: {  	_ =	task [dreg:s7], $0x5FFFF  }
0xac: {  	[dreg:$0x1] =	wrdreg $0xFFFFFFFF  }
0xad: {  	[dreg:$0x0] =	wrdreg $0x60  }
0xae: {  	[dreg:$0x2] =	wrdreg s2  }
0xaf: {  	[dreg:$0x3] =	wrdreg s24  }
0xb0: {  	[dreg:$0x4] =	wrdreg $0x9  }
0xb1: {  	_ =	task.clear_ibuf [dreg:s7], $0x5FFFF;
	_ =	strace $0x90000046  }
0xb2: {  	s29 =	simm.s32 $0x9;
	_ =	strace $0x80000048  }
0xb3: {  	_ =	swait.ge [sflag:s29], $0x1  }
0xb4: {  	[sflag:s29] =	ssyncadd.s32 $0xFFFFFFFF  }
0xb5: {  	_ =	strace $0x90000048  }
0xb6: {  	_ =	sfence  }
0xb7: {  	s30 =	sld [smem:$0x0];
	_ =	sdelay $0x2  }
0xb8: {  	s31 =	sshll.u32 s1, $0xD;
	s1 =	sshrl.u32 s1, $0x2  }
0xb9: {  	s3 =	sand.u32 $0x4000, s31;
	s1 =	sadd.s32 s1, s30  }
0xba: {  	s0 =	sor.u32 s3, s0;
	s1 =	sshll.u32 s1, $0x11  }
0xbb: {  	s0 =	sor.u32 s1, s0  }
0xbc: {  	s0 =	sadd.s32 $0x8F2B, s0  }
0xbd: {  	[sflag:s0] =	ssyncadd.remote.s32 $0x1  }
0xbe: {  	_ =	sfence.sel $0xFFFF  }
0xbf: {  	[dreg:$0x0] =	wrdreg $0xFFFFFFFF;
	(pc) =	sbr.abs _section_cstart, $3  }
0xc0: {  	[dreg:$0x1] =	wrdreg $0xFFFFFFFF  }
0xc1: {  	_ =	task.clear_ibuf [dreg:s7], $0x2FFFF;
	_ =	strace $0x9FFFFFFF  }
0xc2: {  	(tm) =	ssettm $0x7FFFFFFF  }
0xc3: {  	_ =	shalt  }
tec
execute0_lowered:
.L_overlay_start_1:
0x0: {  	(tag) =	ssettag $0x1  }
0x1: {  	s3 =	rddreg [dreg:$0x0]  }
0x2: {  	s4 =	rddreg [dreg:$0x1];
	s0 =	srdreg.scid  }
0x3: {  	s7 =	stileid.u32;
	s2 =	simm.s32 $0x0;
	s28 =	simm.s32 $0x3  }
0x4: {  	s29 =	simm.s32 $0x8080;
	s30 =	simm.s32 $0x8100;
	s31 =	simm.s32 $0x8180  }
0x5: {  	s5 =	sand.u32 $0x1, s0;
	s1 =	sand.u32 $0x8, s7;
	[smem:$0x7FF] =	sst s2  }
0x6: {  	s13 =	sadd.s32 $0x600, s4;
	s9 =	sadd.s32 $0x800, s4;
	s0 =	sshll.u32 s5, $0x4  }
0x7: {  	_ =	strace $0x80000047;
	s5 =	ssub.s32 $0x2, s5;
	s6 =	sor.u32 s1, s0  }
0x8: {  	s0 =	sand.u32 $0x7, s7;
	s10 =	sshrl.u32 s5, $0x1;
	s1 =	sshrl.u32 s6, $0x3  }
0x9: {  	s8 =	sor.u32 s0, s6;
	s11 =	sshll.u32 s0, $0xC;
	s10 =	ssub.s32 s5, s10  }
0xa: {  	p0 =	sne.s32 s0, $0x0;
	s0 =	simm.s32 $0x0;
	s18 =	sshll.u32 s8, $0xC  }
0xb: {  	v0 =	vimm.s32 $0xBA98FEDC;
	v1 =	vimm.s32 $0x32107654;
	v2 =	vimm.s32 $0x76543210;
	s1 =	sadd.s32 s1, s4;
	s8 =	sshll.u32 s8, $0x4;
	s3 =	sadd.s32 s3, s18  }
0xc: {  	v3 =	vimm.s32 $0xFEDCBA98;
	v0 =	vunpack.c.l.s4.s8 v0;
	v1 =	vunpack.c.l.s4.s8 v1;
	s18 =	sshll.u32 s6, $0x4;
	s5 =	sadd.s32 s13, s8;
	s6 =	sadd.s32 s9, s8  }
0xd: {  	v4 =	vimm.s32 $0xDCFE98BA;
	v6 =	vimm.s32 $0x67452301;
	vm0 =	vmmov $0x1;
	s4 =	sadd.s32 $0x800, s3;
	s12 =	sor.u32 $0x10, s18;
	s20 =	sor.u32 $0x20, s18  }
0xe: {  	vm1 =	vcmask $0x320;
	v0 =	vunpack.c.0.s8.s32 v0;
	v1 =	vunpack.c.0.s8.s32 v1;
	s22 =	sor.u32 $0x30, s18;
	s24 =	sor.u32 $0x40, s18;
	s16 =	sor.u32 $0x50, s18  }
0xf: {  	vm2 =	vcmask $0x720;
	vm3 =	vcmask $0xB20;
	vm4 =	vcmask $0xF20;
	s26 =	sor.u32 $0x60, s18;
	s19 =	sadd.s32 s13, s12;
	s12 =	sadd.s32 s9, s12  }
0x10: {  	vm5 =	vcmask $0x1320;
	v5 =	vcombine.low v1, v0;
	v1 =	vimm.s32 $0x54761032;
	s21 =	sadd.s32 s13, s20;
	s8 =	sadd.s32 s9, s20;
	s23 =	sadd.s32 s13, s22  }
0x11: {  	v0 =	vunpack.c.l.s4.s8 v4;
	v4 =	vimm.s32 $0xEFCDAB89;
	v1 =	vunpack.c.l.s4.s8 v1;
	s25 =	sadd.s32 s13, s24;
	s14 =	sadd.s32 s9, s24;
	[dreg:$0x3] =	wrdreg s19  }
0x12: {  	v3 =	vunpack.c.l.s4.s8 v3;
	v6 =	vunpack.c.l.s4.s8 v6;
	v4 =	vunpack.c.l.s4.s8 v4;
	s15 =	sadd.s32 s13, s16;
	s16 =	sadd.s32 s9, s16;
	[dreg:$0x4] =	wrdreg s12  }
0x13: {  	v2 =	vunpack.c.l.s4.s8 v2;
	v0 =	vunpack.c.0.s8.s32 v0;
	v1 =	vunpack.c.0.s8.s32 v1;
	s17 =	sadd.s32 s13, s26;
	s20 =	sor.u32 $0x70, s18;
	[dreg:$0x5] =	wrdreg s21  }
.Ltmp0:
0x14: {  	v3 =	vunpack.c.0.s8.s32 v3;
	v6 =	vunpack.c.0.s8.s32 v6;
	v4 =	vunpack.c.0.s8.s32 v4;
	s18 =	sadd.s32 s9, s26;
	[dreg:$0x6] =	wrdreg s8;
	(pc) =	sbr.rel .LBB2_1-.Ltmp0, $4  }
0x15: {  	vm6 =	vcmask $0x1720;
	s24 =	simm.s32 $0x1;
	s26 =	simm.s32 $0x8000;
	[dreg:$0x7] =	wrdreg s23;
	v7 =	vcombine.low v1, v0;
	v1 =	vunpack.c.0.s8.s32 v2  }
0x16: {  	s12 =	sadd.s32 s9, s22;
	[dreg:$0x9] =	wrdreg s25;
	s19 =	sadd.s32 s13, s20;
	v0 =	vlaneseq.u32;
	v4 =	vcombine.low v6, v4;
	v2 =	vand.u32 $0xF, v3  }
0x17: {  	vm7 =	vcmask $0x1B20;
	s20 =	sadd.s32 s9, s20;
	s21 =	sadd.s32 $0xA00, s1;
	s22 =	smax.u32 s10, $0x1;
	v0 =	vor.u32 s11, v0;
	v1 =	vcombine.low v2, v1  }
0x18: {  	s23 =	simm.s32 $0x4000;
	s25 =	simm.s32 $0x2;
	[dreg:$0x8] =	wrdreg s12;
	v2 =	vand.u32 $0xF, v5;
	v3 =	vand.u32 $0xF, v7;
	v4 =	vand.u32 $0xF, v4  }
.LBB2_7:
0x19: {  	s0 =	sadd.s32 $0x1, s0  }
0x1a: {  	p1 =	sne.s32 s0, s22  }
.Ltmp1:
0x1b: {  	_ = 	snop;
	(pc) =	sbr.rel @!p1 .LBB2_8-.Ltmp1, $1  }
0x1c: {  	_ =	sdelay $0x3  }
.LBB2_1:
0x1d: {  	[tilespmem:s2], [sflag:$0x1] =	stream.linear.gather [hbm4b:s3+s2], $0x4000, $0x38;
	[tilespmem:$0x8200] =	vst v63  }
0x1e: {  	_ = 	snop  }
0x1f: {  	[tilespmem:s23], [sflag:$0x2] =	stream.linear.gather [hbm4b:s4+s2], $0x4000, $0x38;
	[tilespmem:$0x8200] =	vst v63  }
0x20: {  	_ =	swait.ge [sflag:s24], $0x4000  }
0x21: {  	s1 =	sand.u32 $0x70, s2;
	s7 =	sand.u32 $0x3C00, s2;
	[sflag:s24] =	ssyncset.done $0x0  }
0x22: {  	s1 =	sor.u32 s1, s7;
	[sflag:s24] =	ssyncadd.s32 $0xFFFFC000  }
0x23: {  	v5 =	vld [tilespmem:s1+$0x0]  }
0x24: {  	v6 =	vld [tilespmem:s1+$0x80]  }
0x25: {  	v8 =	vld [tilespmem:s1+$0x100]  }
0x26: {  	v9 =	vld [tilespmem:s1+$0x180]  }
0x27: {  	v11 =	vld [tilespmem:s1+$0x280]  }
0x28: {  	v12 =	vld [tilespmem:s1+$0x300]  }
0x29: {  	v13 =	vimm.f32 $+Inf;
	s12 =	simm.s32 $0x80;
	s8 =	simm.s32 $0x10;
	v17 =	vld [tilespmem:s1+$0x380]  }
0x2a: {  	v16 =	vimm.s32 $0x0;
	v23 =	vimm.s32 $0x0;
	v24 =	vimm.s32 $0x0;
	s13 =	sand.u32 $0x70, s8;
	s7 =	sand.u32 $0x3C00, s12;
	v10 =	vld [tilespmem:s1+$0x200]  }
0x2b: {  	v21 =	vimm.s32 $0x0;
	v25 =	vimm.s32 $0x0;
	v26 =	vimm.s32 $0x0;
	s7 =	sor.u32 s13, s7  }
0x2c: {  	v22 =	vimm.s32 $0x0;
	v20 =	vld [tilespmem:s7+$0x0];
	vm9 =	vlt.f32 v5, v13;
	vm8 =	vlt.f32 v6, v13  }
0x2d: {  	v14 =	vld [tilespmem:s7+$0x80];
	vm11 =	vlt.f32 v8, v13;
	vm12 =	vlt.f32 v9, v13;
	vm13 =	vlt.f32 v11, v13  }
0x2e: {  	v19 =	vld [tilespmem:s7+$0x100];
	vm14 =	vlt.f32 v12, v13;
	vm10 =	vlt.f32 v17, v13;
	v5 =	vsel vm9, v5, v13  }
0x2f: {  	v15 =	vld [tilespmem:s7+$0x180];
	v7 =	vsel vm9, s2, v16;
	v6 =	vsel vm8, v6, v13;
	vm9 =	vlt.f32 v10, v13  }
0x30: {  	s9 =	simm.s32 $0x100;
	s10 =	simm.s32 $0x20;
	v18 =	vld [tilespmem:s7+$0x200];
	v8 =	vsel vm11, v8, v13;
	v9 =	vsel vm12, v9, v13;
	v11 =	vsel vm13, v11, v13  }
0x31: {  	s11 =	simm.s32 $0x2;
	s8 =	simm.s32 $0x0;
	s1 =	simm.s32 $0x1;
	v12 =	vsel vm14, v12, v13;
	v10 =	vsel vm9, v10, v13;
	v13 =	vsel vm10, v17, v13;
	v17 =	vld [tilespmem:s7+$0x280]  }
.LBB2_2:
0x32: {  	s12 =	sand.u32 $0x70, s10;
	s13 =	sand.u32 $0x3C00, s9;
	p1 =	sne.s32 s11, $0x7F;
	v27 =	vld [tilespmem:s7+$0x300];
	v16 =	vsel vm8, s8, v16;
	v23 =	vsel vm11, s8, v23;
	v24 =	vsel vm12, s8, v24  }
0x33: {  	v21 =	vsel vm9, s8, v21;
	v25 =	vsel vm13, s8, v25;
	v26 =	vsel vm14, s8, v26;
	v28 =	vld [tilespmem:s7+$0x380];
	s7 =	sor.u32 s12, s13;
	v29 =	vmovc v19  }
0x34: {  	vm9 =	vlt.f32 v20, v5;
	vm8 =	vlt.f32 v14, v6;
	v22 =	vsel vm10, s8, v22;
	s8 =	smov.u32 s1;
	s1 =	smov.u32 s11;
	v30 =	vld [tilespmem:s7+$0x0]  }
.Ltmp2:
0x35: {  	v5 =	vsel vm9, v20, v5;
	v7 =	vsel vm9, s8, v7;
	v6 =	vsel vm8, v14, v6;
	v14 =	vld [tilespmem:s7+$0x80];
	(pc) =	sbr.rel @p1 .LBB2_2-.Ltmp2, $4  }
0x36: {  	vm11 =	vlt.f32 v29, v8;
	vm12 =	vlt.f32 v15, v9;
	vm9 =	vlt.f32 v18, v10;
	v19 =	vld [tilespmem:s7+$0x100]  }
0x37: {  	v8 =	vsel vm11, v29, v8;
	v9 =	vsel vm12, v15, v9;
	v10 =	vsel vm9, v18, v10;
	v15 =	vld [tilespmem:s7+$0x180]  }
0x38: {  	vm13 =	vlt.f32 v17, v11;
	vm14 =	vlt.f32 v27, v12;
	v18 =	vld [tilespmem:s7+$0x200];
	vm10 =	vlt.f32 v28, v13  }
0x39: {  	s9 =	sadd.s32 $0x80, s9;
	s10 =	sadd.s32 $0x10, s10;
	s11 =	sadd.s32 $0x1, s11;
	v11 =	vsel vm13, v17, v11;
	v12 =	vsel vm14, v27, v12;
	v17 =	vld [tilespmem:s7+$0x280];
	v13 =	vsel vm10, v28, v13;
	v20 =	vmovc v30  }
0x3a: {  	v27 =	vld [tilespmem:s7+$0x300]  }
0x3b: {  	v28 =	vld [tilespmem:s7+$0x380];
	_ =	swait.ge [sflag:s25], $0x4000;
	s11 =	simm.s32 $0x0  }
0x3c: {  	v16 =	vsel vm8, s8, v16;
	v23 =	vsel vm11, s8, v23;
	v24 =	vsel vm12, s8, v24;
	[sflag:s25] =	ssyncset.done $0x0;
	s9 =	sand.u32 $0x70, s11;
	s7 =	sand.u32 $0x3C00, s11  }
0x3d: {  	v21 =	vsel vm9, s8, v21;
	v25 =	vsel vm13, s8, v25;
	v26 =	vsel vm14, s8, v26;
	[sflag:s25] =	ssyncadd.s32 $0xFFFFC000;
	s9 =	sor.u32 s9, s7  }
0x3e: {  	vm8 =	vlt.f32 v20, v5;
	vm9 =	vlt.f32 v14, v6;
	v22 =	vsel vm10, s8, v22;
	v29 =	vld [tilespmem:s9+$0x4000]  }
0x3f: {  	v20 =	vsel vm8, v20, v5;
	v30 =	vsel vm8, s1, v7;
	v14 =	vsel vm9, v14, v6;
	v31 =	vld [tilespmem:s9+$0x4080]  }
0x40: {  	vm8 =	vlt.f32 v19, v8;
	v5 =	vsel vm9, s1, v16;
	vm10 =	vlt.f32 v15, v9;
	v32 =	vld [tilespmem:s9+$0x4100]  }
0x41: {  	v8 =	vsel vm8, v19, v8;
	v6 =	vsel vm8, s1, v23;
	vm11 =	vlt.f32 v18, v10;
	v34 =	vld [tilespmem:s9+$0x4180]  }
0x42: {  	v9 =	vsel vm10, v15, v9;
	v7 =	vsel vm10, s1, v24;
	v36 =	vld [tilespmem:s9+$0x4300];
	v33 =	vsel vm11, v18, v10  }
0x43: {  	s12 =	simm.s32 $0x80;
	s13 =	simm.s32 $0x10;
	v37 =	vld [tilespmem:s9+$0x4380];
	vm12 =	vlt.f32 v17, v11;
	v15 =	vsel vm11, s1, v21;
	vm13 =	vlt.f32 v27, v12  }
0x44: {  	s8 =	sand.u32 $0x70, s13;
	s7 =	sand.u32 $0x3C00, s12;
	v35 =	vld [tilespmem:s9+$0x4200];
	vm14 =	vlt.f32 v28, v13;
	v11 =	vsel vm12, v17, v11;
	v10 =	vsel vm12, s1, v25  }
0x45: {  	s7 =	sor.u32 s8, s7;
	v17 =	vld [tilespmem:s9+$0x4280];
	v27 =	vsel vm13, v27, v12;
	v28 =	vsel vm14, v28, v13;
	v12 =	vsel vm13, s1, v26  }
0x46: {  	v18 =	vld [tilespmem:s7+$0x4080];
	v13 =	vsel vm14, s1, v22;
	vm9 =	vlt.f32 v29, v20;
	vm8 =	vlt.f32 v31, v14  }
0x47: {  	s8 =	simm.s32 $0x80;
	v16 =	vld [tilespmem:s7+$0x4180];
	vm10 =	vlt.f32 v32, v8;
	vm11 =	vlt.f32 v34, v9;
	vm14 =	vlt.f32 v36, v27  }
0x48: {  	v25 =	vld [tilespmem:s7+$0x4100];
	vm12 =	vlt.f32 v37, v28;
	v21 =	vsel vm9, v29, v20;
	v24 =	vsel vm9, s8, v30  }
0x49: {  	v26 =	vld [tilespmem:s7+$0x4000];
	v22 =	vsel vm8, v31, v14;
	vm9 =	vlt.f32 v35, v33;
	v19 =	vsel vm10, v32, v8  }
0x4a: {  	s10 =	simm.s32 $0x20;
	v23 =	vld [tilespmem:s7+$0x4200];
	v20 =	vsel vm11, v34, v9;
	v9 =	vsel vm14, v36, v27;
	vm13 =	vlt.f32 v17, v11  }
0x4b: {  	s11 =	simm.s32 $0x82;
	s9 =	simm.s32 $0x100;
	s1 =	simm.s32 $0x81;
	v8 =	vld [tilespmem:s7+$0x4280];
	v14 =	vsel vm9, v35, v33;
	v17 =	vsel vm13, v17, v11;
	v11 =	vsel vm12, v37, v28  }
.LBB2_4:
0x4c: {  	s12 =	sand.u32 $0x70, s10;
	s13 =	sand.u32 $0x3C00, s9;
	p1 =	sne.s32 s11, $0xFF;
	v27 =	vld [tilespmem:s7+$0x4300];
	v5 =	vsel vm8, s8, v5;
	v6 =	vsel vm10, s8, v6;
	v7 =	vsel vm11, s8, v7  }
0x4d: {  	v15 =	vsel vm9, s8, v15;
	v10 =	vsel vm13, s8, v10;
	v12 =	vsel vm14, s8, v12;
	v28 =	vld [tilespmem:s7+$0x4380];
	s7 =	sor.u32 s12, s13;
	v29 =	vmovc v25  }
0x4e: {  	vm9 =	vlt.f32 v26, v21;
	vm8 =	vlt.f32 v18, v22;
	v13 =	vsel vm12, s8, v13;
	s8 =	smov.u32 s1;
	s1 =	smov.u32 s11;
	v30 =	vld [tilespmem:s7+$0x4000]  }
.Ltmp3:
0x4f: {  	v21 =	vsel vm9, v26, v21;
	v24 =	vsel vm9, s8, v24;
	v22 =	vsel vm8, v18, v22;
	v18 =	vld [tilespmem:s7+$0x4080];
	(pc) =	sbr.rel @p1 .LBB2_4-.Ltmp3, $4  }
0x50: {  	vm10 =	vlt.f32 v29, v19;
	vm11 =	vlt.f32 v16, v20;
	vm9 =	vlt.f32 v23, v14;
	v25 =	vld [tilespmem:s7+$0x4100]  }
0x51: {  	v19 =	vsel vm10, v29, v19;
	v20 =	vsel vm11, v16, v20;
	v14 =	vsel vm9, v23, v14;
	v16 =	vld [tilespmem:s7+$0x4180]  }
0x52: {  	vm13 =	vlt.f32 v8, v17;
	vm14 =	vlt.f32 v27, v9;
	v23 =	vld [tilespmem:s7+$0x4200];
	vm12 =	vlt.f32 v28, v11  }
0x53: {  	s9 =	sadd.s32 $0x80, s9;
	s10 =	sadd.s32 $0x10, s10;
	s11 =	sadd.s32 $0x1, s11;
	v17 =	vsel vm13, v8, v17;
	v9 =	vsel vm14, v27, v9;
	v8 =	vld [tilespmem:s7+$0x4280];
	v11 =	vsel vm12, v28, v11;
	v26 =	vmovc v30  }
0x54: {  	v27 =	vsel vm8, s8, v5;
	v28 =	vsel vm10, s8, v6  }
0x55: {  	v29 =	vsel vm11, s8, v7;
	v15 =	vsel vm9, s8, v15;
	vm8 =	vlt.f32 v26, v21  }
0x56: {  	v30 =	vsel vm13, s8, v10;
	v12 =	vsel vm14, s8, v12;
	vm11 =	vlt.f32 v18, v22  }
0x57: {  	v13 =	vsel vm12, s8, v13;
	v5 =	vsel vm8, s1, v24;
	v7 =	vsel vm8, v26, v21  }
0x58: {  	v18 =	vsel vm11, v18, v22;
	vm12 =	vlt.f32 v25, v19;
	v40 =	vsel vm11, s1, v27  }
0x59: {  	v5 =	vshll.u32 v5, $0x4;
	v35 =	vperm.xlane v7, v1;
	vm13 =	vlt.f32 v16, v20  }
0x5a: {  	v19 =	vsel vm12, v25, v19;
	v41 =	vsel vm12, s1, v28;
	v43 =	vperm.xlane v18, v1  }
0x5b: {  	v5 =	vadd.s32 v5, v0;
	vm14 =	vlt.f32 v23, v14;
	v16 =	vsel vm13, v16, v20  }
0x5c: {  	v42 =	vsel vm13, s1, v29;
	v56 =	vshll.u32 v41, $0x4;
	v57 =	vperm.xlane v19, v1  }
0x5d: {  	v6 =	vld [tilespmem:s7+$0x4300];
	v36 =	vperm.xlane v5, v1;
	vm8 =	veq.f32 v35, v7;
	v10 =	vsel vm14, v23, v14  }
0x5e: {  	v34 =	vld [tilespmem:s7+$0x4380];
	vm15 =	vlt.f32 v35, v7;
	vm10 =	vlt.f32 v8, v17;
	v15 =	vsel vm14, s1, v15  }
0x5f: {  	vm14 =	vlt.f32 v43, v18;
	v22 =	vshll.u32 v42, $0x4;
	v61 =	vperm.xlane v16, v1  }
0x60: {  	v49 =	vsel vm10, s1, v30;
	v22 =	vadd.s32 v22, v0;
	vm9 =	vlt.s32 v36, v5  }
0x61: {  	v15 =	vshll.u32 v15, $0x4;
	v62 =	vperm.xlane v22, v1;
	vm8 =	vmand vm8, vm9  }
0x62: {  	v15 =	vadd.s32 v15, v0;
	vm9 =	vmor vm15, vm8;
	vm8 =	vlt.f32 v6, v9  }
0x63: {  	v37 =	vsel vm9, v35, v7;
	v38 =	vsel vm9, v36, v5;
	vm9 =	vlt.f32 v34, v11  }
0x64: {  	v7 =	vsel vm10, v8, v17;
	v6 =	vsel vm8, v6, v9;
	v9 =	vshll.u32 v40, $0x4  }
0x65: {  	v55 =	vsel vm8, s1, v12;
	v8 =	vperm.xlane v37, v2;
	v39 =	vperm.xlane v38, v2  }
0x66: {  	v12 =	vadd.s32 v56, v0;
	v36 =	vperm.xlane v10, v1;
	v9 =	vadd.s32 v9, v0  }
0x67: {  	v44 =	vperm.xlane v9, v1;
	vm11 =	veq.f32 v8, v37;
	vm12 =	vlt.s32 v39, v38  }
0x68: {  	v5 =	vsel vm9, v34, v11;
	vm11 =	vmand vm11, vm12;
	vm12 =	vlt.f32 v8, v37  }
0x69: {  	v11 =	vshll.u32 v49, $0x4;
	vm11 =	vmor vm12, vm11;
	vm12 =	vlt.s32 v44, v9  }
0x6a: {  	v8 =	vsel vm11, v8, v37;
	v17 =	vsel vm11, v39, v38;
	vm11 =	veq.f32 v43, v18  }
0x6b: {  	v45 =	vperm.xlane v8, v3;
	v46 =	vperm.xlane v17, v3;
	vm11 =	vmand vm11, vm12  }
0x6c: {  	v58 =	vperm.xlane v12, v1;
	v11 =	vadd.s32 v11, v0;
	vm11 =	vmor vm14, vm11  }
0x6d: {  	vm13 =	vlt.f32 v45, v8;
	vm12 =	veq.f32 v45, v8;
	vm14 =	vlt.s32 v46, v17  }
0x6e: {  	v18 =	vsel vm11, v43, v18;
	v9 =	vsel vm11, v44, v9;
	vm12 =	vmand vm12, vm14  }
0x6f: {  	v47 =	vperm.xlane v18, v2;
	v48 =	vperm.xlane v9, v2;
	vm12 =	vmor vm13, vm12  }
0x70: {  	v41 =	vperm.xlane v7, v1;
	v42 =	vperm.xlane v11, v1;
	v20 =	vsel vm12, v45, v8  }
0x71: {  	v17 =	vsel vm12, v46, v17;
	vm10 =	veq.f32 v47, v18;
	vm11 =	vlt.s32 v48, v9  }
0x72: {  	vm12 =	vlt.f32 v47, v18;
	v8 =	vsel vm9, s1, v13;
	v50 =	vperm.xlane v20, v4  }
0x73: {  	v51 =	vperm.xlane v17, v4;
	vm10 =	vmand vm10, vm11;
	v8 =	vshll.u32 v8, $0x4  }
0x74: {  	v37 =	vperm.xlane v15, v1;
	vm10 =	vmor vm12, vm10;
	v8 =	vadd.s32 v8, v0  }
0x75: {  	vm11 =	vlt.f32 v50, v20;
	vm13 =	veq.f32 v50, v20;
	vm12 =	vlt.s32 v51, v17  }
0x76: {  	v14 =	vsel vm10, v47, v18;
	v52 =	vsel vm10, v48, v9;
	v9 =	vshll.u32 v55, $0x4  }
0x77: {  	vm13 =	vmand vm13, vm12;
	v53 =	vperm.xlane v14, v3;
	v54 =	vperm.xlane v52, v3  }
0x78: {  	v9 =	vadd.s32 v9, v0;
	vm8 =	vmor vm11, vm13;
	vm13 =	vlt.s32 v58, v12  }
0x79: {  	vm14 =	veq.f32 v53, v14;
	vm15 =	vlt.s32 v54, v52;
	vm12 =	vlt.f32 v53, v14  }
0x7a: {  	v20 =	vsel vm8, v50, v20;
	v17 =	vsel vm8, v51, v17;
	vm8 =	veq.f32 v57, v19  }
0x7b: {  	vm9 =	vmand vm14, vm15;
	vm14 =	vlt.f32 v57, v19;
	vm8 =	vmand vm8, vm13  }
0x7c: {  	v50 =	vperm.xlane v6, v1;
	vm9 =	vmor vm12, vm9;
	vm8 =	vmor vm14, vm8  }
0x7d: {  	v14 =	vsel vm9, v53, v14;
	v18 =	vsel vm9, v54, v52;
	v13 =	vsel vm8, v57, v19  }
0x7e: {  	v12 =	vsel vm8, v58, v12;
	v59 =	vperm.xlane v14, v4;
	v60 =	vperm.xlane v18, v4  }
0x7f: {  	vm11 =	vlt.f32 v61, v16;
	v19 =	vperm.xlane v13, v2;
	v21 =	vperm.xlane v12, v2  }
0x80: {  	v51 =	vperm.xlane v9, v1;
	vm15 =	veq.f32 v59, v14;
	vm8 =	vlt.s32 v60, v18  }
0x81: {  	vm12 =	vlt.f32 v59, v14;
	vm13 =	veq.f32 v19, v13;
	vm14 =	vlt.s32 v21, v12  }
0x82: {  	vm8 =	vmand vm15, vm8;
	vm15 =	vlt.f32 v19, v13;
	vm9 =	vmand vm13, vm14  }
0x83: {  	v20 =	vnsel vm0, $0x7F800000, v20;
	vm8 =	vmor vm12, vm8;
	vm9 =	vmor vm15, vm9  }
0x84: {  	vm12 =	vlt.s32 v62, v22;
	v14 =	vsel vm8, v59, v14;
	v13 =	vsel vm9, v19, v13  }
0x85: {  	v18 =	vsel vm8, v60, v18;
	v12 =	vsel vm9, v21, v12;
	vm8 =	veq.f32 v61, v16  }
0x86: {  	v63 =	vperm.xlane v13, v3;
	v28 =	vperm.xlane v12, v3;
	vm8 =	vmand vm8, vm12  }
0x87: {  	v17 =	vnsel vm0, $0x7FFFFFFF, v17;
	v53 =	vperm.xlane v5, v1;
	vm8 =	vmor vm11, vm8  }
0x88: {  	vm10 =	vlt.f32 v63, v13;
	vm9 =	veq.f32 v63, v13;
	vm12 =	vlt.s32 v28, v12  }
0x89: {  	v16 =	vsel vm8, v61, v16;
	v29 =	vsel vm8, v62, v22;
	vm9 =	vmand vm9, vm12  }
0x8a: {  	v30 =	vperm.xlane v16, v2;
	v23 =	vperm.xlane v29, v2;
	vm8 =	vmor vm10, vm9  }
0x8b: {  	v54 =	vperm.xlane v8, v1;
	v13 =	vsel vm8, v63, v13;
	v12 =	vsel vm8, v28, v12  }
0x8c: {  	vm8 =	veq.f32 v30, v16;
	vm13 =	vlt.s32 v23, v29;
	v31 =	vperm.xlane v13, v4  }
0x8d: {  	vm14 =	vlt.f32 v30, v16;
	v32 =	vperm.xlane v12, v4;
	vm8 =	vmand vm8, vm13  }
0x8e: {  	vm8 =	vmor vm14, vm8;
	vm15 =	vlt.f32 v31, v13;
	vm12 =	veq.f32 v31, v13  }
0x8f: {  	vm13 =	vlt.s32 v32, v12;
	v16 =	vsel vm8, v30, v16;
	v33 =	vsel vm8, v23, v29  }
0x90: {  	vm10 =	vmand vm12, vm13;
	v34 =	vperm.xlane v16, v3;
	v35 =	vperm.xlane v33, v3  }
0x91: {  	v14 =	vsel vm1, v20, v14;
	v17 =	vsel vm1, v17, v18;
	vm8 =	vmor vm15, vm10  }
0x92: {  	v13 =	vsel vm8, v31, v13;
	vm14 =	veq.f32 v34, v16;
	vm15 =	vlt.s32 v35, v33  }
0x93: {  	v12 =	vsel vm8, v32, v12;
	vm8 =	vlt.f32 v34, v16;
	vm9 =	vmand vm14, vm15  }
0x94: {  	vm12 =	veq.f32 v36, v10;
	vm13 =	vlt.s32 v37, v15;
	vm8 =	vmor vm8, vm9  }
0x95: {  	vm14 =	vlt.f32 v36, v10;
	vm9 =	vmand vm12, vm13;
	v16 =	vsel vm8, v34, v16  }
0x96: {  	v18 =	vsel vm8, v35, v33;
	vm8 =	vmor vm14, vm9;
	v19 =	vperm.xlane v16, v4  }
0x97: {  	v38 =	vperm.xlane v18, v4;
	v10 =	vsel vm8, v36, v10;
	v15 =	vsel vm8, v37, v15  }
0x98: {  	v13 =	vsel vm2, v14, v13;
	v39 =	vperm.xlane v10, v2;
	v40 =	vperm.xlane v15, v2  }
0x99: {  	v12 =	vsel vm2, v17, v12;
	vm8 =	veq.f32 v19, v16;
	vm9 =	vlt.s32 v38, v18  }
0x9a: {  	vm10 =	veq.f32 v39, v10;
	vm11 =	vlt.s32 v40, v15;
	vm12 =	vlt.f32 v39, v10  }
0x9b: {  	vm8 =	vmand vm8, vm9;
	vm9 =	veq.f32 v41, v7;
	vm10 =	vmand vm10, vm11  }
0x9c: {  	vm11 =	vlt.f32 v19, v16;
	vm10 =	vmor vm12, vm10;
	vm12 =	vlt.f32 v41, v7  }
0x9d: {  	v10 =	vsel vm10, v39, v10;
	v43 =	vsel vm10, v40, v15;
	vm10 =	vlt.s32 v42, v11  }
0x9e: {  	vm8 =	vmor vm11, vm8;
	v44 =	vperm.xlane v10, v3;
	vm9 =	vmand vm9, vm10  }
0x9f: {  	v16 =	vsel vm8, v19, v16;
	v20 =	vperm.xlane v43, v3;
	vm9 =	vmor vm12, vm9  }
0xa0: {  	v46 =	vsel vm8, v38, v18;
	vm15 =	veq.f32 v44, v10;
	v7 =	vsel vm9, v41, v7  }
0xa1: {  	v11 =	vsel vm9, v42, v11;
	vm12 =	vlt.s32 v20, v43;
	v17 =	vperm.xlane v7, v2  }
0xa2: {  	vm13 =	vlt.f32 v44, v10;
	v22 =	vperm.xlane v11, v2;
	vm9 =	vmand vm15, vm12  }
0xa3: {  	v13 =	vsel vm3, v13, v16;
	vm9 =	vmor vm13, vm9;
	vm10 =	veq.f32 v17, v7  }
0xa4: {  	vm11 =	vlt.s32 v22, v11;
	v10 =	vsel vm9, v44, v10;
	vm12 =	vlt.f32 v17, v7  }
0xa5: {  	v14 =	vsel vm9, v20, v43;
	vm10 =	vmand vm10, vm11;
	v15 =	vperm.xlane v10, v4  }
0xa6: {  	v12 =	vsel vm3, v12, v46;
	v45 =	vperm.xlane v14, v4;
	vm14 =	vmor vm12, vm10  }
0xa7: {  	v7 =	vsel vm14, v17, v7;
	v11 =	vsel vm14, v22, v11;
	vm9 =	veq.f32 v15, v10  }
0xa8: {  	vm10 =	vlt.s32 v45, v14;
	v47 =	vperm.xlane v7, v3;
	v48 =	vperm.xlane v11, v3  }
0xa9: {  	vm8 =	vlt.f32 v15, v10;
	vm9 =	vmand vm9, vm10;
	vm10 =	veq.f32 v50, v6  }
0xaa: {  	vm8 =	vmor vm8, vm9;
	vm11 =	veq.f32 v47, v7;
	vm12 =	vlt.s32 v48, v11  }
0xab: {  	vm15 =	vlt.f32 v47, v7;
	v10 =	vsel vm8, v15, v10;
	vm11 =	vmand vm11, vm12  }
0xac: {  	v14 =	vsel vm8, v45, v14;
	v10 =	vsel vm4, v13, v10;
	vm12 =	vmor vm15, vm11  }
0xad: {  	vm11 =	vlt.s32 v51, v9;
	v7 =	vsel vm12, v47, v7;
	v11 =	vsel vm12, v48, v11  }
0xae: {  	vm12 =	vlt.f32 v50, v6;
	vm10 =	vmand vm10, vm11;
	vm11 =	vlt.s32 v54, v8  }
0xaf: {  	v49 =	vperm.xlane v7, v4;
	v52 =	vperm.xlane v11, v4;
	vm10 =	vmor vm12, vm10  }
0xb0: {  	v6 =	vsel vm10, v50, v6;
	v9 =	vsel vm10, v51, v9;
	vm10 =	veq.f32 v53, v5  }
0xb1: {  	vm8 =	vlt.f32 v49, v7;
	vm9 =	veq.f32 v49, v7;
	v55 =	vperm.xlane v6, v2  }
0xb2: {  	vm13 =	vlt.s32 v52, v11;
	v56 =	vperm.xlane v9, v2;
	vm10 =	vmand vm10, vm11  }
0xb3: {  	vm9 =	vmand vm9, vm13;
	vm13 =	vlt.f32 v53, v5;
	vm12 =	vlt.f32 v55, v6  }
0xb4: {  	vm11 =	veq.f32 v55, v6;
	vm14 =	vlt.s32 v56, v9;
	vm10 =	vmor vm13, vm10  }
0xb5: {  	vm11 =	vmand vm11, vm14;
	v5 =	vsel vm10, v53, v5;
	v8 =	vsel vm10, v54, v8  }
0xb6: {  	vm14 =	vmor vm12, vm11;
	v16 =	vperm.xlane v5, v2;
	v18 =	vperm.xlane v8, v2  }
0xb7: {  	v12 =	vsel vm4, v12, v14;
	vm8 =	vmor vm8, vm9;
	v6 =	vsel vm14, v55, v6  }
0xb8: {  	v9 =	vsel vm14, v56, v9;
	vm15 =	veq.f32 v16, v5;
	vm12 =	vlt.s32 v18, v8  }
0xb9: {  	v57 =	vperm.xlane v6, v3;
	vm13 =	vlt.f32 v16, v5;
	vm9 =	vmand vm15, vm12  }
0xba: {  	v7 =	vsel vm8, v49, v7;
	v58 =	vperm.xlane v9, v3;
	vm9 =	vmor vm13, vm9  }
0xbb: {  	vm14 =	veq.f32 v57, v6;
	v5 =	vsel vm9, v16, v5;
	v8 =	vsel vm9, v18, v8  }
0xbc: {  	vm15 =	vlt.s32 v58, v9;
	v16 =	vperm.xlane v5, v3;
	v59 =	vperm.xlane v8, v3  }
0xbd: {  	v11 =	vsel vm8, v52, v11;
	vm8 =	vlt.f32 v57, v6;
	vm9 =	vmand vm14, vm15  }
0xbe: {  	vm8 =	vmor vm8, vm9;
	vm12 =	veq.f32 v16, v5;
	vm13 =	vlt.s32 v59, v8  }
0xbf: {  	v6 =	vsel vm8, v57, v6;
	vm14 =	vlt.f32 v16, v5;
	vm9 =	vmand vm12, vm13  }
0xc0: {  	v9 =	vsel vm8, v58, v9;
	v60 =	vperm.xlane v6, v4;
	vm8 =	vmor vm14, vm9  }
0xc1: {  	v61 =	vperm.xlane v9, v4;
	v5 =	vsel vm8, v16, v5;
	v8 =	vsel vm8, v59, v8  }
0xc2: {  	v7 =	vsel vm5, v10, v7;
	v62 =	vperm.xlane v5, v4;
	v63 =	vperm.xlane v8, v4  }
0xc3: {  	vm15 =	veq.f32 v60, v6;
	vm12 =	vlt.s32 v61, v9;
	vm8 =	vlt.f32 v60, v6  }
0xc4: {  	vm9 =	vmand vm15, vm12;
	vm13 =	veq.f32 v62, v5;
	vm14 =	vlt.s32 v63, v8  }
0xc5: {  	vm8 =	vmor vm8, vm9;
	vm15 =	vlt.f32 v62, v5;
	vm10 =	vmand vm13, vm14  }
0xc6: {  	v11 =	vsel vm5, v12, v11;
	v6 =	vsel vm8, v60, v6;
	vm9 =	vmor vm15, vm10  }
0xc7: {  	v9 =	vsel vm8, v61, v9;
	v6 =	vsel vm6, v7, v6;
	v5 =	vsel vm9, v62, v5  }
0xc8: {  	v7 =	vsel vm6, v11, v9;
	v8 =	vsel vm9, v63, v8;
	v5 =	vsel vm7, v6, v5  }
0xc9: {  	v6 =	vsel vm7, v7, v8;
	[tilespmem:$0x8000] =	vst v5  }
0xca: {  	[tilespmem:$0x8080] =	vst v6  }
0xcb: {  	[hbm4b:s5+s2] =	stream.linear.scatter [tilespmem:s26], [sflag:$0x3], $0x80, $0x38;
	[tilespmem:$0x8200] =	vst v63  }
0xcc: {  	_ =	swait.ge [sflag:s28], $0x80  }
0xcd: {  	[sflag:s28] =	ssyncset.done $0x0  }
0xce: {  	[sflag:s28] =	ssyncadd.s32 $0xFFFFFF80  }
0xcf: {  	[hbm4b:s6+s2] =	stream.linear.scatter [tilespmem:s29], [sflag:$0x3], $0x80, $0x38;
	[tilespmem:$0x8200] =	vst v63  }
.Ltmp4:
0xd0: {  	_ =	swait.ge [sflag:s28], $0x80;
	(pc) =	sbr.rel @p0 .LBB2_7-.Ltmp4, $3  }
0xd1: {  	[sflag:s28] =	ssyncset.done $0x0  }
0xd2: {  	[sflag:s28] =	ssyncadd.s32 $0xFFFFFF80  }
0xd3: {  	[bflag:$0x0] =	sbarrier.arrive $0xFFFF;
	_ =	sdelay $0x1  }
0xd4: {  	s1 =	rddreg [dreg:$0x3]  }
0xd5: {  	[tilespmem:s30], [sflag:$0x3] =	stream.linear.gather [hbm4b:s1+s2], $0x80, $0x38;
	[tilespmem:$0x8200] =	vst v63  }
0xd6: {  	_ =	swait.ge [sflag:s28], $0x80  }
0xd7: {  	[sflag:s28] =	ssyncset.done $0x0  }
0xd8: {  	s8 =	rddreg [dreg:$0x4];
	[sflag:s28] =	ssyncadd.s32 $0xFFFFFF80  }
0xd9: {  	[tilespmem:s31], [sflag:$0x3] =	stream.linear.gather [hbm4b:s8+s2], $0x80, $0x38;
	[tilespmem:$0x8200] =	vst v63  }
0xda: {  	_ =	swait.ge [sflag:s28], $0x80  }
0xdb: {  	[sflag:s28] =	ssyncset.done $0x0  }
0xdc: {  	[sflag:s28] =	ssyncadd.s32 $0xFFFFFF80  }
0xdd: {  	s9 =	rddreg [dreg:$0x5];
	v7 =	vld [tilespmem:$0x8100]  }
0xde: {  	v8 =	vld [tilespmem:$0x8180];
	[tilespmem:s30], [sflag:$0x3] =	stream.linear.gather [hbm4b:s9+s2], $0x80, $0x38  }
0xdf: {  	_ =	swait.ge [sflag:s28], $0x80  }
0xe0: {  	[sflag:s28] =	ssyncset.done $0x0  }
0xe1: {  	s10 =	rddreg [dreg:$0x6];
	[sflag:s28] =	ssyncadd.s32 $0xFFFFFF80  }
0xe2: {  	[tilespmem:s31], [sflag:$0x3] =	stream.linear.gather [hbm4b:s10+s2], $0x80, $0x38;
	[tilespmem:$0x8200] =	vst v63  }
0xe3: {  	_ =	swait.ge [sflag:s28], $0x80  }
0xe4: {  	[sflag:s28] =	ssyncset.done $0x0  }
0xe5: {  	[sflag:s28] =	ssyncadd.s32 $0xFFFFFF80  }
0xe6: {  	s11 =	rddreg [dreg:$0x7];
	v9 =	vld [tilespmem:$0x8100]  }
0xe7: {  	v10 =	vld [tilespmem:$0x8180];
	[tilespmem:s30], [sflag:$0x3] =	stream.linear.gather [hbm4b:s11+s2], $0x80, $0x38  }
0xe8: {  	_ =	swait.ge [sflag:s28], $0x80  }
0xe9: {  	[sflag:s28] =	ssyncset.done $0x0  }
0xea: {  	s12 =	rddreg [dreg:$0x8];
	[sflag:s28] =	ssyncadd.s32 $0xFFFFFF80  }
0xeb: {  	[tilespmem:s31], [sflag:$0x3] =	stream.linear.gather [hbm4b:s12+s2], $0x80, $0x38;
	[tilespmem:$0x8200] =	vst v63  }
0xec: {  	_ =	swait.ge [sflag:s28], $0x80  }
0xed: {  	[sflag:s28] =	ssyncset.done $0x0  }
0xee: {  	[sflag:s28] =	ssyncadd.s32 $0xFFFFFF80  }
0xef: {  	s13 =	rddreg [dreg:$0x9];
	v11 =	vld [tilespmem:$0x8100]  }
0xf0: {  	v12 =	vld [tilespmem:$0x8180];
	[tilespmem:s30], [sflag:$0x3] =	stream.linear.gather [hbm4b:s13+s2], $0x80, $0x38  }
0xf1: {  	_ =	swait.ge [sflag:s28], $0x80  }
0xf2: {  	[sflag:s28] =	ssyncset.done $0x0  }
0xf3: {  	[sflag:s28] =	ssyncadd.s32 $0xFFFFFF80  }
0xf4: {  	[tilespmem:s31], [sflag:$0x3] =	stream.linear.gather [hbm4b:s14+s2], $0x80, $0x38;
	[tilespmem:$0x8200] =	vst v63  }
0xf5: {  	_ =	swait.ge [sflag:s28], $0x80  }
0xf6: {  	[sflag:s28] =	ssyncset.done $0x0  }
0xf7: {  	[sflag:s28] =	ssyncadd.s32 $0xFFFFFF80  }
0xf8: {  	v13 =	vld [tilespmem:$0x8100]  }
0xf9: {  	v14 =	vld [tilespmem:$0x8180];
	[tilespmem:s30], [sflag:$0x3] =	stream.linear.gather [hbm4b:s15+s2], $0x80, $0x38  }
0xfa: {  	_ =	swait.ge [sflag:s28], $0x80  }
0xfb: {  	[sflag:s28] =	ssyncset.done $0x0  }
0xfc: {  	[sflag:s28] =	ssyncadd.s32 $0xFFFFFF80  }
0xfd: {  	[tilespmem:s31], [sflag:$0x3] =	stream.linear.gather [hbm4b:s16+s2], $0x80, $0x38;
	[tilespmem:$0x8200] =	vst v63  }
0xfe: {  	_ =	swait.ge [sflag:s28], $0x80  }
0xff: {  	[sflag:s28] =	ssyncset.done $0x0  }
0x100: {  	[sflag:s28] =	ssyncadd.s32 $0xFFFFFF80  }
0x101: {  	vm8 =	veq.f32 v7, v5;
	vm9 =	vlt.s32 v8, v6;
	v15 =	vld [tilespmem:$0x8100]  }
0x102: {  	vm12 =	vlt.f32 v7, v5;
	vm8 =	vmand vm8, vm9;
	v16 =	vld [tilespmem:$0x8180];
	[tilespmem:s30], [sflag:$0x3] =	stream.linear.gather [hbm4b:s17+s2], $0x80, $0x38  }
0x103: {  	vm8 =	vmor vm12, vm8;
	_ =	swait.ge [sflag:s28], $0x80  }
0x104: {  	v5 =	vsel vm8, v7, v5;
	v6 =	vsel vm8, v8, v6;
	[sflag:s28] =	ssyncset.done $0x0  }
0x105: {  	vm8 =	veq.f32 v9, v5;
	vm13 =	vlt.s32 v10, v6;
	[sflag:s28] =	ssyncadd.s32 $0xFFFFFF80  }
0x106: {  	vm14 =	vlt.f32 v9, v5;
	vm8 =	vmand vm8, vm13;
	[tilespmem:s31], [sflag:$0x3] =	stream.linear.gather [hbm4b:s18+s2], $0x80, $0x38;
	[tilespmem:$0x8200] =	vst v63  }
0x107: {  	vm8 =	vmor vm14, vm8;
	_ =	swait.ge [sflag:s28], $0x80  }
0x108: {  	v5 =	vsel vm8, v9, v5;
	v6 =	vsel vm8, v10, v6;
	[sflag:s28] =	ssyncset.done $0x0  }
0x109: {  	vm8 =	veq.f32 v11, v5;
	vm15 =	vlt.s32 v12, v6;
	[sflag:s28] =	ssyncadd.s32 $0xFFFFFF80  }
0x10a: {  	vm10 =	vlt.f32 v11, v5;
	vm8 =	vmand vm8, vm15;
	v7 =	vld [tilespmem:$0x8100]  }
0x10b: {  	vm8 =	vmor vm10, vm8;
	v61 =	vld [tilespmem:$0x8180];
	[tilespmem:s30], [sflag:$0x3] =	stream.linear.gather [hbm4b:s19+s2], $0x80, $0x38  }
0x10c: {  	v5 =	vsel vm8, v11, v5;
	v6 =	vsel vm8, v12, v6;
	_ =	swait.ge [sflag:s28], $0x80  }
0x10d: {  	vm8 =	veq.f32 v13, v5;
	vm12 =	vlt.s32 v14, v6;
	[sflag:s28] =	ssyncset.done $0x0  }
0x10e: {  	vm13 =	vlt.f32 v13, v5;
	vm8 =	vmand vm8, vm12;
	[sflag:s28] =	ssyncadd.s32 $0xFFFFFF80  }
0x10f: {  	vm8 =	vmor vm13, vm8;
	[tilespmem:s31], [sflag:$0x3] =	stream.linear.gather [hbm4b:s20+s2], $0x80, $0x38;
	[tilespmem:$0x8200] =	vst v63  }
0x110: {  	v5 =	vsel vm8, v13, v5;
	v6 =	vsel vm8, v14, v6;
	_ =	swait.ge [sflag:s28], $0x80  }
0x111: {  	vm8 =	veq.f32 v15, v5;
	vm14 =	vlt.s32 v16, v6;
	[sflag:s28] =	ssyncset.done $0x0  }
0x112: {  	vm15 =	vlt.f32 v15, v5;
	vm8 =	vmand vm8, vm14;
	[sflag:s28] =	ssyncadd.s32 $0xFFFFFF80  }
0x113: {  	vm8 =	vmor vm15, vm8;
	v62 =	vld [tilespmem:$0x8100]  }
0x114: {  	v5 =	vsel vm8, v15, v5;
	v6 =	vsel vm8, v16, v6;
	v63 =	vld [tilespmem:$0x8180]  }
0x115: {  	vm8 =	veq.f32 v7, v5;
	vm12 =	vlt.s32 v61, v6  }
0x116: {  	vm13 =	vlt.f32 v7, v5;
	vm8 =	vmand vm8, vm12  }
0x117: {  	vm8 =	vmor vm13, vm8  }
0x118: {  	v5 =	vsel vm8, v7, v5;
	v6 =	vsel vm8, v61, v6  }
0x119: {  	vm8 =	veq.f32 v62, v5;
	vm14 =	vlt.s32 v63, v6  }
0x11a: {  	vm15 =	vlt.f32 v62, v5;
	vm8 =	vmand vm8, vm14  }
0x11b: {  	vm8 =	vmor vm15, vm8  }
0x11c: {  	v5 =	vsel vm8, v63, v6  }
.Ltmp5:
0x11d: {  	[tilespmem:$0x8080] =	vst v5;
	(pc) =	sbr.rel .LBB2_7-.Ltmp5, $4  }
0x11e: {  	[hbm4b:s21+s2] =	stream.linear.scatter [tilespmem:s29], [sflag:$0x3], $0x8, $0x38;
	[tilespmem:$0x8200] =	vst v63  }
0x11f: {  	_ =	swait.ge [sflag:s28], $0x8  }
0x120: {  	[sflag:s28] =	ssyncset.done $0x0  }
0x121: {  	[sflag:s28] =	ssyncadd.s32 $0xFFFFFFF8  }
.LBB2_8:
0x122: {  	_ =	sfence.sel $0x180000  }
0x123: {  	[bflag:$0x0] =	sbarrier.arrive $0xFFFF  }
0x124: {  	_ =	strace $0x90000047  }
0x125: {  	s0 =	stileid.u32;
	[bflag:$0x2] =	sbarrier.arrive $0xFFFF  }
0x126: {  	p0 =	sne.s32 s0, $0x0;
	s0 =	rddreg [dreg:$0x2]  }
0x127: {  	s0 =	sadd.s32 @!p0 $0x100000, s0  }
0x128: {  	[sflag:s0] =	ssyncadd.tile.s32 @!p0 $0x1;
	_ =	shalt  }
.Lfunc_end2:
_tile_overlayer_lowered:
.L_overlay_start_2:
0x129: {  	(tag) =	ssettag $0x2  }
0x12a: {  	s0 =	rddreg [dreg:$0x0];
	s2 =	stileid.u32  }
0x12b: {  	s1 =	rddreg [dreg:$0x1];
	p0 =	sne.s32 s2, $0x0  }
0x12c: {  	s3 =	rddreg [dreg:$0x2];
	[bflag:$0x3] =	sbarrier.arrive $0xFFFF;
	s2 =	simm.s32 @!p0 $0x1C03  }
0x12d: {  	[timem:s3], [sflag:s2] =	dma.local @!p0 [hbm:s0], s1  }
0x12e: {  	s0 =	simm.s32 @!p0 $0x3  }
0x12f: {  	_ =	swait.ge @!p0 [sflag:s0], s1  }
0x130: {  	s1 =	ssub.s32 @!p0 $0x0, s1;
	[sflag:s0] =	ssyncset.done @!p0 $0x0  }
0x131: {  	[sflag:s0] =	ssyncadd.s32 @!p0 s1  }
0x132: {  	[bflag:$0x3] =	sbarrier.arrive $0xFFFF  }
0x133: {  	_ =	shalt  }

</sc_bundles>
